<compile_context>
chip_gen: v7x
topology: tpu7x:2x2x1
jax: 0.10.2.dev20260603
libtpu: 0.0.44.dev20260713+nightly
codegen_flags: <defaults>
</compile_context>

<pallas_src>
import functools

import jax
import jax.numpy as jnp
from jax import lax
from jax.experimental import pallas as pl
from jax.experimental.pallas import tpu as pltpu
from jax.experimental.pallas import tpu_sc as plsc

_N = 16384
_C = 10
_BJ = 2048
_LS = 0.1
_LAM = 0.5
_B = 2048
_LO = -8.0
_SCALE = _B / 8.0
_NV = _N // 16


def _prep_body(x_ref, t_ref, s_ref, stat_ref):
    j = pl.program_id(0)
    x = x_ref[...]
    m = jnp.max(x, axis=0, keepdims=True)
    e = jnp.exp(x - m)
    tot = jnp.sum(e, axis=0, keepdims=True)
    s = (x - m) - jnp.log(tot)
    s_ref[...] = s

    t = t_ref[pl.ds(j * _BJ, _BJ)]
    cls_col = lax.broadcasted_iota(jnp.int32, (_C, _BJ), 0)
    ht = (cls_col == t[None, :]).astype(jnp.float32)
    o = jnp.sum(ht * s, axis=0)
    colsum = jnp.sum(s, axis=0)
    ce_part = jnp.sum(-((1.0 - _LS) * o + (_LS / _C) * colsum))

    row = lax.broadcasted_iota(jnp.int32, (8, 128), 0)
    upd = jnp.where(row == 0, ce_part, 0.0)

    @pl.when(j == 0)
    def _():
        stat_ref[...] = jnp.zeros((8, 128), jnp.float32)

    stat_ref[...] += upd


def _bucketize(k):
    b = ((k - _LO) * _SCALE).astype(jnp.int32)
    return jnp.clip(b, 0, _B - 1)


def _sc_class_work(c, role, row, s_hbm, t_hbm, out_hbm, col, tloc, hist,
                   bsum, cumx, pbsum, pcumx, pcurs, psort, pk, pbk, stage,
                   vtmp, sem1, sem2):
    lanes = lax.iota(jnp.int32, 16)
    zeros16i = jnp.zeros(16, jnp.int32)
    ones16i = jnp.ones(16, jnp.int32)

    cp1 = pltpu.async_copy(s_hbm.at[c], col, sem1)
    cp2 = pltpu.async_copy(t_hbm, tloc, sem2)

    def z_body(i, carry):
        for u in range(4):
            hist[pl.ds((i * 4 + u) * 16, 16)] = zeros16i
        return carry

    lax.fori_loop(0, _B // 4, z_body, 0)
    cp1.wait()
    cp2.wait()

    def h_body(v4, carry):
        for u in range(4):
            k = col[pl.ds((v4 * 4 + u) * 16, 16)]
            b = _bucketize(k)
            plsc.addupdate_scatter(hist, [lanes * _B + b], ones16i)
        return carry

    lax.fori_loop(0, _NV // 4, h_body, 0)

    def r_body(i, carry):
        acc = hist[pl.ds(i * 16, 16)]
        for l in range(1, 16):
            acc = acc + hist[pl.ds(l * _B + i * 16, 16)]
        bsum[pl.ds(i * 16, 16)] = acc
        return carry

    lax.fori_loop(0, _B // 16, r_body, 0)

    def c_body(i, carry):
        v = bsum[pl.ds(i * 16, 16)]
        inc = plsc.cumsum(v)
        cumx[pl.ds(i * 16, 16)] = (inc - v) + carry
        return carry + jnp.max(inc)

    lax.fori_loop(0, _B // 16, c_body, 0)

    lax.fori_loop(0, _B // 4, z_body, 0)

    def p_body(v, carry):
        base_vec, term1 = carry
        k = col[pl.ds(v * 16, 16)]
        t = tloc[pl.ds(v * 16, 16)]
        b = _bucketize(k)
        pos = t == c
        gbase = plsc.load_gather(cumx, [b])
        term1 = term1 + jnp.where(pos & (role == 0), gbase, 0)
        addr = base_vec + plsc.cumsum(jnp.where(pos, 1, 0)) - 1
        plsc.store_scatter(pk, [addr], k, mask=pos)
        plsc.store_scatter(pbk, [addr], b, mask=pos)
        plsc.addupdate_scatter(hist, [lanes * _B + b], ones16i, mask=pos)
        base_vec = base_vec + plsc.all_reduce_population_count(pos)
        return base_vec, term1

    base_vec, term1 = lax.fori_loop(0, _NV, p_body, (zeros16i, zeros16i))
    npos = jnp.max(base_vec)

    lax.fori_loop(0, _B // 16, r_body, 0)

    def pc_body(i, carry):
        v = bsum[pl.ds(i * 16, 16)]
        inc = plsc.cumsum(v)
        exc = (inc - v) + carry
        pbsum[pl.ds(i * 16, 16)] = v
        pcumx[pl.ds(i * 16, 16)] = exc
        pcurs[pl.ds(i * 16, 16)] = exc
        return carry + jnp.max(inc)

    lax.fori_loop(0, _B // 16, pc_body, 0)

    nfull = npos // 16

    def m_body(v, carry):
        b = pbk[pl.ds(v * 16, 16)]
        k = pk[pl.ds(v * 16, 16)]
        b_s, k_s = plsc.sort_key_val(b, k)
        vtmp[...] = b_s
        prev = plsc.load_gather(vtmp, [jnp.maximum(lanes - 1, 0)])
        nxt = plsc.load_gather(vtmp, [jnp.minimum(lanes + 1, 15)])
        start = (lanes == 0) | (b_s != prev)
        end = (lanes == 15) | (b_s != nxt)
        ordv = lanes - plsc.cummax(jnp.where(start, lanes, 0))
        cur = plsc.load_gather(pcurs, [b_s])
        addr = cur + ordv
        plsc.store_scatter(psort, [addr], k_s)
        plsc.store_scatter(pcurs, [b_s], addr + 1, mask=end)
        return carry

    lax.fori_loop(0, nfull, m_body, 0)

    tb = pbk[pl.ds(nfull * 16, 16)]
    tk = pk[pl.ds(nfull * 16, 16)]

    def tail_body(l, carry):
        lm = (lanes == l) & (nfull * 16 + l < npos)
        cur = plsc.load_gather(pcurs, [jnp.where(lm, tb, 0)])
        plsc.store_scatter(psort, [cur], tk, mask=lm)
        plsc.store_scatter(pcurs, [tb], cur + 1, mask=lm)
        return carry

    lax.fori_loop(0, 16, tail_body, 0)

    ntrip = (_NV - role + 2) // 3

    def q_body(v, t2):
        vv = role + 3 * v
        k = col[pl.ds(vv * 16, 16)]
        b = _bucketize(k)
        base = plsc.load_gather(pcumx, [b])
        n = plsc.load_gather(pbsum, [b])
        nmax = jnp.max(n)

        def inner(m4, acc):
            for u in range(4):
                m = m4 * 4 + u
                mm = m < n
                idx = jnp.minimum(base + m, _N - 1)
                g = plsc.load_gather(psort, [idx], mask=mm)
                acc = acc + jnp.where(mm & (g > k), 1, 0)
            return acc

        return lax.fori_loop(0, (nmax + 3) // 4, inner, t2)

    t2 = lax.fori_loop(0, ntrip, q_body, zeros16i)

    r_vec = term1.astype(jnp.float32) + t2.astype(jnp.float32)
    stage[pl.ds(0, 16)] = r_vec
    pw = jnp.where((lanes == 0) & (role == 0), npos.astype(jnp.float32), 0.0)
    stage[pl.ds(16, 16)] = pw
    pltpu.sync_copy(stage, out_hbm.at[row])


def _sc_count_body(s_hbm, t_hbm, out_hbm, col, tloc, hist, bsum, cumx,
                   pbsum, pcumx, pcurs, psort, pk, pbk, stage, vtmp, sem1,
                   sem2):
    wid = lax.axis_index("s") * 2 + lax.axis_index("c")

    @pl.when(wid < 3 * _C)
    def _():
        _sc_class_work(wid % _C, wid // _C, wid, s_hbm, t_hbm, out_hbm, col,
                       tloc, hist, bsum, cumx, pbsum, pcumx, pcurs, psort,
                       pk, pbk, stage, vtmp, sem1, sem2)


@functools.cache
def _sc_count():
  return functools.partial(
    pl.kernel,
    out_type=jax.ShapeDtypeStruct((3 * _C, 32), jnp.float32),
    mesh=plsc.VectorSubcoreMesh(core_axis_name="c", subcore_axis_name="s"),
    compiler_params=pltpu.CompilerParams(needs_layout_passes=False),
    scratch_types=[
        pltpu.VMEM((_N,), jnp.float32),
        pltpu.VMEM((_N,), jnp.int32),
        pltpu.VMEM((_B * 16,), jnp.int32),
        pltpu.VMEM((_B,), jnp.int32),
        pltpu.VMEM((_B,), jnp.int32),
        pltpu.VMEM((_B,), jnp.int32),
        pltpu.VMEM((_B,), jnp.int32),
        pltpu.VMEM((_B,), jnp.int32),
        pltpu.VMEM((_N,), jnp.float32),
        pltpu.VMEM((_N + 16,), jnp.float32),
        pltpu.VMEM((_N + 16,), jnp.int32),
        pltpu.VMEM((32,), jnp.float32),
        pltpu.VMEM((16,), jnp.int32),
        pltpu.SemaphoreType.DMA,
        pltpu.SemaphoreType.DMA,
    ],
  )(_sc_count_body)


def _final_body(stat_ref, rp_ref, out_ref):
    ce_sum = stat_ref[0, 0]
    rp = rp_ref[...]
    lane = lax.broadcasted_iota(jnp.int32, (3 * _C, 32), 1)
    rw = jnp.sum(jnp.where(lane < 16, rp, 0.0), axis=1)
    pw = jnp.sum(jnp.where(lane >= 16, rp, 0.0), axis=1)
    r = rw[0:_C] + rw[_C:2 * _C] + rw[2 * _C:3 * _C]
    p = pw[0:_C] + pw[_C:2 * _C] + pw[2 * _C:3 * _C]
    n = _N - p
    u = r - p * (p - 1.0) * 0.5
    denom = jnp.maximum(p, 1.0) * jnp.maximum(n, 1.0)
    pauc = jnp.sum(u / denom) / _C
    ce = ce_sum / _N
    out_ref[0, 0] = (1.0 - _LAM) * ce + _LAM * (1.0 - pauc * pauc)


@jax.jit
def kernel(predictions, targets):
    pred_t = predictions.T

    s, stat = pl.pallas_call(
        _prep_body,
        grid=(_N // _BJ,),
        in_specs=[
            pl.BlockSpec((_C, _BJ), lambda j: (0, j)),
            pl.BlockSpec((_N,), lambda j: (0,)),
        ],
        out_specs=[
            pl.BlockSpec((_C, _BJ), lambda j: (0, j)),
            pl.BlockSpec((8, 128), lambda j: (0, 0)),
        ],
        out_shape=[
            jax.ShapeDtypeStruct((_C, _N), jnp.float32),
            jax.ShapeDtypeStruct((8, 128), jnp.float32),
        ],
    )(pred_t, targets)

    rp = _sc_count()(s, targets)

    out = pl.pallas_call(
        _final_body,
        in_specs=[
            pl.BlockSpec((8, 128), lambda: (0, 0)),
            pl.BlockSpec((3 * _C, 32), lambda: (0, 0)),
        ],
        out_specs=pl.BlockSpec((1, 1), lambda: (0, 0), memory_space=pltpu.SMEM),
        out_shape=jax.ShapeDtypeStruct((1, 1), jnp.float32),
    )(stat, rp)

    return out[0, 0]

# --- scband reference (transcript-rebuilt; emitter-appended) ---
"""Pipeline reference for scband-cross-entropy-paucloss-79130477461783 (READ-ONLY COPY).

The authoritative reference and input builder live on the scoring server;
editing this copy changes nothing except your own understanding.
"""

import jax, jax.numpy as jnp
import numpy as np

NUM_CLASSES = 10
LABEL_SMOOTHING = 0.1
LAMBDA_PAUC = 0.5
RECALL_THRESHOLD = 0.0  # => max_fpr = 1.0, full-curve branch (mask all True, ~mask empty)


def setup_inputs(seed: int = 0) -> dict:
    key = jax.random.key(seed)
    k1, k2 = jax.random.split(key)
    predictions = jax.random.normal(k1, (16384, NUM_CLASSES), dtype=jnp.float32)
    targets = jax.random.randint(k2, (16384,), 0, NUM_CLASSES, dtype=jnp.int32)
    return {"predictions": predictions, "targets": targets}


def _roc_curve(y_score, y_true):
    # descending sort of scores (ties vanishingly unlikely for random floats)
    order = jnp.argsort(-y_score)
    y_true_sorted = jnp.take(y_true, order)
    tps = jnp.cumsum(y_true_sorted)
    fps = jnp.cumsum(1.0 - y_true_sorted)
    total_pos = jnp.maximum(tps[-1], 1.0)
    total_neg = jnp.maximum(fps[-1], 1.0)
    return fps / total_neg, tps / total_pos


def _trapezoidal_auc(fpr, tpr):
    delta_fpr = fpr[1:] - fpr[:-1]
    avg_tpr = (tpr[1:] + tpr[:-1]) / 2.0
    return jnp.sum(delta_fpr * avg_tpr)


def _pauc(probs, targets):
    # recall_threshold = 0.0 => max_fpr = 1.0; fpr <= 1.0 everywhere, so the
    # original code takes the 'idx empty -> pass' path and uses the full curve.
    # (All 10 classes are present in a 16384-sample random batch, so no class skipped.)
    vals = []
    for c in range(NUM_CLASSES):
        scores = probs[:, c]
        y_bin = (targets == c).astype(jnp.float32)
        fpr, tpr = _roc_curve(scores, y_bin)
        vals.append(_trapezoidal_auc(fpr, tpr))
    return jnp.mean(jnp.stack(vals))


def reference(predictions, targets):
    probs = jax.nn.softmax(predictions, axis=1)
    logp = jax.nn.log_softmax(predictions, axis=1)
    onehot = jax.nn.one_hot(targets, NUM_CLASSES, dtype=jnp.float32)
    q = (1.0 - LABEL_SMOOTHING) * onehot + LABEL_SMOOTHING / NUM_CLASSES
    ce_loss = jnp.mean(-jnp.sum(q * logp, axis=1))
    pauc = _pauc(probs, targets)
    # torch.tensor(pauc) in the original detaches the pAUC term from the graph
    pauc = jax.lax.stop_gradient(pauc)
    pauc_loss = 1.0 - jnp.power(pauc, 2.0)
    total_loss = (1.0 - LAMBDA_PAUC) * ce_loss + LAMBDA_PAUC * pauc_loss
    return total_loss

if __name__ == "__main__":
    import jax
    _d = setup_inputs()
    print(jax.jit(kernel)(*tuple(_d.values())))

</pallas_src>

<mosaic_0001>
#map = affine_map<(d0, d1) -> (0, 0)>
#map1 = affine_map<(d0, d1) -> (0)>
module attributes {stable_mosaic.version = 14 : i64} {
  func.func @_sc_count_body(%arg0: i32, %arg1: i32, %arg2: memref<10x16384xf32, #tpu.memory_space<hbm>>, %arg3: memref<16384xi32, #tpu.memory_space<hbm>>, %arg4: memref<30x32xf32, #tpu.memory_space<hbm>>, %arg5: memref<16384xf32, #tpu.memory_space<vmem>>, %arg6: memref<16384xi32, #tpu.memory_space<vmem>>, %arg7: memref<32768xi32, #tpu.memory_space<vmem>>, %arg8: memref<2048xi32, #tpu.memory_space<vmem>>, %arg9: memref<2048xi32, #tpu.memory_space<vmem>>, %arg10: memref<2048xi32, #tpu.memory_space<vmem>>, %arg11: memref<2048xi32, #tpu.memory_space<vmem>>, %arg12: memref<2048xi32, #tpu.memory_space<vmem>>, %arg13: memref<16384xf32, #tpu.memory_space<vmem>>, %arg14: memref<16400xf32, #tpu.memory_space<vmem>>, %arg15: memref<16400xi32, #tpu.memory_space<vmem>>, %arg16: memref<32xf32, #tpu.memory_space<vmem>>, %arg17: memref<16xi32, #tpu.memory_space<vmem>>, %arg18: memref<!tpu.dma_semaphore, #tpu.memory_space<semaphore_mem>>, %arg19: memref<!tpu.dma_semaphore, #tpu.memory_space<semaphore_mem>>) attributes {dimension_semantics = [#tpu.dimension_semantics<core_parallel>, #tpu.dimension_semantics<subcore_parallel>], iteration_bounds = array<i64: 2, 16>, scalar_prefetch = 0 : i64, scratch_operands = 15 : i64, tpu.core_type = #tpu.core_type<sc_vector_subcore>, window_params = [{transform_indices = #map}, {transform_indices = #map1}, {transform_indices = #map}]} {
    %mul3A = arith.constant 2 : i32
    %mul3A_0 = arith.muli %arg1, %mul3A : i32
    %add3A = arith.addi %mul3A_0, %arg0 : i32
    %lt3A = arith.constant 30 : i32
    %lt3A_1 = arith.cmpi slt, %add3A, %lt3A : i32
    %convert_element_type3A = arith.extui %lt3A_1 : i1 to i32
    %cond3A = arith.constant 0 : i32
    %cond3A_2 = arith.cmpi ne, %convert_element_type3A, %cond3A : i32
    scf.if %cond3A_2 {
      %jit3A = arith.constant 10 : i32
      %eq3A = arith.constant 0 : i32
      %eq3A_3 = arith.cmpi eq, %jit3A, %eq3A : i32
      %jit3A_4 = arith.constant 1 : i32
      %select_n3A = arith.select %eq3A_3, %jit3A_4, %jit3A : i32
      %rem3A = arith.remsi %add3A, %select_n3A : i32
      %ne3A = arith.constant 0 : i32
      %ne3A_5 = arith.cmpi ne, %rem3A, %ne3A : i32
      %lt3A_6 = arith.constant 0 : i32
      %lt3A_7 = arith.cmpi slt, %rem3A, %lt3A_6 : i32
      %lt3A_8 = arith.constant 0 : i32
      %lt3A_9 = arith.cmpi slt, %select_n3A, %lt3A_8 : i32
      %ne3A_10 = arith.xori %lt3A_7, %lt3A_9 : i1
      %and3A = arith.andi %ne3A_10, %ne3A_5 : i1
      %add3A_11 = arith.addi %rem3A, %select_n3A : i32
      %select_n3A_12 = arith.select %and3A, %add3A_11, %rem3A : i32
      %jit3A_13 = arith.constant 10 : i32
      %div3A = arith.divsi %add3A, %jit3A_13 : i32
      %sign3A = arith.constant 0 : i32
      %sign3A_14 = arith.cmpi sgt, %add3A, %sign3A : i32
      %sign3A_15 = arith.extui %sign3A_14 : i1 to i32
      %sign3A_16 = arith.constant 0 : i32
      %sign3A_17 = arith.cmpi slt, %add3A, %sign3A_16 : i32
      %sign3A_18 = arith.extui %sign3A_17 : i1 to i32
      %sign3A_19 = arith.subi %sign3A_15, %sign3A_18 : i32
      %sign3A_20 = arith.constant 0 : i32
      %sign3A_21 = arith.cmpi sgt, %jit3A_13, %sign3A_20 : i32
      %sign3A_22 = arith.extui %sign3A_21 : i1 to i32
      %sign3A_23 = arith.constant 0 : i32
      %sign3A_24 = arith.cmpi slt, %jit3A_13, %sign3A_23 : i32
      %sign3A_25 = arith.extui %sign3A_24 : i1 to i32
      %sign3A_26 = arith.subi %sign3A_22, %sign3A_25 : i32
      %ne3A_27 = arith.cmpi ne, %sign3A_19, %sign3A_26 : i32
      %rem3A_28 = arith.remsi %add3A, %jit3A_13 : i32
      %ne3A_29 = arith.constant 0 : i32
      %ne3A_30 = arith.cmpi ne, %rem3A_28, %ne3A_29 : i32
      %and3A_31 = arith.andi %ne3A_27, %ne3A_30 : i1
      %sub3A = arith.constant 1 : i32
      %sub3A_32 = arith.subi %div3A, %sub3A : i32
      %select_n3A_33 = arith.select %and3A_31, %sub3A_32, %div3A : i32
      %iota3A = tpu.iota {dimensions = array<i32: 0>} : vector<16xi32>
      %broadcast_in_dim3A = arith.constant 0 : i32
      %broadcast_in_dim3A_34 = vector.broadcast %broadcast_in_dim3A : i32 to vector<16xi32>
      %broadcast_in_dim3A_35 = arith.constant 1 : i32
      %broadcast_in_dim3A_36 = vector.broadcast %broadcast_in_dim3A_35 : i32 to vector<16xi32>
      %dma_start3A = arith.constant 0 : i32
      %dma_start3A_37 = tpu.memref_slice %arg2[%select_n3A_12, %dma_start3A] : memref<10x16384xf32, #tpu.memory_space<hbm>> -> memref<1x16384xf32, #tpu.memory_space<hbm>>
      %dma_start3A_38 = tpu.memref_squeeze %dma_start3A_37 : memref<1x16384xf32, #tpu.memory_space<hbm>> -> memref<16384xf32, #tpu.memory_space<hbm>>
      %dma_start3A_39 = arith.constant 0 : i32
      %dma_start3A_40 = tpu.memref_slice %arg2[%select_n3A_12, %dma_start3A_39] : memref<10x16384xf32, #tpu.memory_space<hbm>> -> memref<1x16384xf32, #tpu.memory_space<hbm>>
      %dma_start3A_41 = tpu.memref_squeeze %dma_start3A_40 : memref<1x16384xf32, #tpu.memory_space<hbm>> -> memref<16384xf32, #tpu.memory_space<hbm>>
      tpu.enqueue_dma source(%dma_start3A_41 : memref<16384xf32, #tpu.memory_space<hbm>>) target(%arg5 : memref<16384xf32, #tpu.memory_space<vmem>>) target_semaphore(%arg18 : memref<!tpu.dma_semaphore, #tpu.memory_space<semaphore_mem>>)
      tpu.enqueue_dma source(%arg3 : memref<16384xi32, #tpu.memory_space<hbm>>) target(%arg6 : memref<16384xi32, #tpu.memory_space<vmem>>) target_semaphore(%arg19 : memref<!tpu.dma_semaphore, #tpu.memory_space<semaphore_mem>>)
      %scan3A = arith.constant 0 : i32
      %scan3A_42 = arith.constant 0 : i32
      %scan3A_43 = arith.constant 512 : i32
      %scan3A_44 = arith.addi %scan3A_42, %scan3A_43 : i32
      %scan3A_45 = arith.constant 1 : i32
      scf.for %scan3A_206 = %scan3A_42 to %scan3A_44 step %scan3A_45  : i32 {
        %mul3A_207 = arith.constant 4 : i32
        %mul3A_208 = arith.muli %scan3A_206, %mul3A_207 : i32
        %add3A_209 = arith.constant 0 : i32
        %add3A_210 = arith.addi %mul3A_208, %add3A_209 : i32
        %mul3A_211 = arith.constant 16 : i32
        %mul3A_212 = arith.muli %add3A_210, %mul3A_211 : i32
        %swap3A_213 = arith.index_cast %mul3A_212 : i32 to index
        %swap3A_214 = tpu.vector_load %arg7[%swap3A_213] {strides = array<i32>} : memref<32768xi32, #tpu.memory_space<vmem>>, vector<16xi32>,
        tpu.vector_store %arg7[%swap3A_213], %broadcast_in_dim3A_34 {strides = array<i32>} : memref<32768xi32, #tpu.memory_space<vmem>>, vector<16xi32>,
        %mul3A_215 = arith.constant 4 : i32
        %mul3A_216 = arith.muli %scan3A_206, %mul3A_215 : i32
        %add3A_217 = arith.constant 1 : i32
        %add3A_218 = arith.addi %mul3A_216, %add3A_217 : i32
        %mul3A_219 = arith.constant 16 : i32
        %mul3A_220 = arith.muli %add3A_218, %mul3A_219 : i32
        %swap3A_221 = arith.index_cast %mul3A_220 : i32 to index
        %swap3A_222 = tpu.vector_load %arg7[%swap3A_221] {strides = array<i32>} : memref<32768xi32, #tpu.memory_space<vmem>>, vector<16xi32>,
        tpu.vector_store %arg7[%swap3A_221], %broadcast_in_dim3A_34 {strides = array<i32>} : memref<32768xi32, #tpu.memory_space<vmem>>, vector<16xi32>,
        %mul3A_223 = arith.constant 4 : i32
        %mul3A_224 = arith.muli %scan3A_206, %mul3A_223 : i32
        %add3A_225 = arith.constant 2 : i32
        %add3A_226 = arith.addi %mul3A_224, %add3A_225 : i32
        %mul3A_227 = arith.constant 16 : i32
        %mul3A_228 = arith.muli %add3A_226, %mul3A_227 : i32
        %swap3A_229 = arith.index_cast %mul3A_228 : i32 to index
        %swap3A_230 = tpu.vector_load %arg7[%swap3A_229] {strides = array<i32>} : memref<32768xi32, #tpu.memory_space<vmem>>, vector<16xi32>,
        tpu.vector_store %arg7[%swap3A_229], %broadcast_in_dim3A_34 {strides = array<i32>} : memref<32768xi32, #tpu.memory_space<vmem>>, vector<16xi32>,
        %mul3A_231 = arith.constant 4 : i32
        %mul3A_232 = arith.muli %scan3A_206, %mul3A_231 : i32
        %add3A_233 = arith.constant 3 : i32
        %add3A_234 = arith.addi %mul3A_232, %add3A_233 : i32
        %mul3A_235 = arith.constant 16 : i32
        %mul3A_236 = arith.muli %add3A_234, %mul3A_235 : i32
        %swap3A_237 = arith.index_cast %mul3A_236 : i32 to index
        %swap3A_238 = tpu.vector_load %arg7[%swap3A_237] {strides = array<i32>} : memref<32768xi32, #tpu.memory_space<vmem>>, vector<16xi32>,
        tpu.vector_store %arg7[%swap3A_237], %broadcast_in_dim3A_34 {strides = array<i32>} : memref<32768xi32, #tpu.memory_space<vmem>>, vector<16xi32>,
      }
      %scan3A_46 = arith.constant 512 : i32
      %dma_wait3A = arith.constant 0 : i32
      %dma_wait3A_47 = tpu.memref_slice %arg2[%select_n3A_12, %dma_wait3A] : memref<10x16384xf32, #tpu.memory_space<hbm>> -> memref<1x16384xf32, #tpu.memory_space<hbm>>
      %dma_wait3A_48 = tpu.memref_squeeze %dma_wait3A_47 : memref<1x16384xf32, #tpu.memory_space<hbm>> -> memref<16384xf32, #tpu.memory_space<hbm>>
      %dma_wait3A_49 = arith.constant 0 : i32
      %dma_wait3A_50 = tpu.memref_slice %arg2[%select_n3A_12, %dma_wait3A_49] : memref<10x16384xf32, #tpu.memory_space<hbm>> -> memref<1x16384xf32, #tpu.memory_space<hbm>>
      %dma_wait3A_51 = tpu.memref_squeeze %dma_wait3A_50 : memref<1x16384xf32, #tpu.memory_space<hbm>> -> memref<16384xf32, #tpu.memory_space<hbm>>
      tpu.wait_dma2 semaphore(%arg18 : memref<!tpu.dma_semaphore, #tpu.memory_space<semaphore_mem>>) src(%dma_wait3A_51 : memref<16384xf32, #tpu.memory_space<hbm>>) dst(%arg5 : memref<16384xf32, #tpu.memory_space<vmem>>)
      tpu.wait_dma2 semaphore(%arg19 : memref<!tpu.dma_semaphore, #tpu.memory_space<semaphore_mem>>) src(%arg3 : memref<16384xi32, #tpu.memory_space<hbm>>) dst(%arg6 : memref<16384xi32, #tpu.memory_space<vmem>>)
      %scan3A_52 = arith.constant 0 : i32
      %scan3A_53 = arith.constant 0 : i32
      %scan3A_54 = arith.constant 256 : i32
      %scan3A_55 = arith.addi %scan3A_53, %scan3A_54 : i32
      %scan3A_56 = arith.constant 1 : i32
      scf.for %scan3A_206 = %scan3A_53 to %scan3A_55 step %scan3A_56  : i32 {
        %mul3A_207 = arith.constant 4 : i32
        %mul3A_208 = arith.muli %scan3A_206, %mul3A_207 : i32
        %add3A_209 = arith.constant 0 : i32
        %add3A_210 = arith.addi %mul3A_208, %add3A_209 : i32
        %mul3A_211 = arith.constant 16 : i32
        %mul3A_212 = arith.muli %add3A_210, %mul3A_211 : i32
        %get3A_213 = arith.index_cast %mul3A_212 : i32 to index
        %get3A_214 = tpu.vector_load %arg5[%get3A_213] {strides = array<i32>} : memref<16384xf32, #tpu.memory_space<vmem>>, vector<16xf32>,
        %sub3A_215 = arith.constant -8.000000e+00 : f32
        %sub3A_216 = vector.broadcast %sub3A_215 : f32 to vector<16xf32>
        %sub3A_217 = arith.subf %get3A_214, %sub3A_216 : vector<16xf32>
        %mul3A_218 = arith.constant 2.560000e+02 : f32
        %mul3A_219 = vector.broadcast %mul3A_218 : f32 to vector<16xf32>
        %mul3A_220 = arith.mulf %sub3A_217, %mul3A_219 : vector<16xf32>
        %convert_element_type3A_221 = arith.fptosi %mul3A_220 : vector<16xf32> to vector<16xi32>
        %jit3A_222 = arith.constant 0 : i32
        %jit3A_223 = arith.constant 2047 : i32
        %max3A = vector.broadcast %jit3A_222 : i32 to vector<16xi32>
        %max3A_224 = arith.maxsi %max3A, %convert_element_type3A_221 : vector<16xi32>
        %min3A = vector.broadcast %jit3A_223 : i32 to vector<16xi32>
        %min3A_225 = arith.minsi %min3A, %max3A_224 : vector<16xi32>
        %mul3A_226 = arith.constant 2048 : i32
        %mul3A_227 = vector.broadcast %mul3A_226 : i32 to vector<16xi32>
        %mul3A_228 = arith.muli %iota3A, %mul3A_227 : vector<16xi32>
        %add3A_229 = arith.addi %mul3A_228, %min3A_225 : vector<16xi32>
        tpu.vector_store_idx %arg7[%add3A_229], %broadcast_in_dim3A_36 {add = true} : memref<32768xi32, #tpu.memory_space<vmem>>[vector<16xi32>], vector<16xi32>,
        %mul3A_230 = arith.constant 4 : i32
        %mul3A_231 = arith.muli %scan3A_206, %mul3A_230 : i32
        %add3A_232 = arith.constant 1 : i32
        %add3A_233 = arith.addi %mul3A_231, %add3A_232 : i32
        %mul3A_234 = arith.constant 16 : i32
        %mul3A_235 = arith.muli %add3A_233, %mul3A_234 : i32
        %get3A_236 = arith.index_cast %mul3A_235 : i32 to index
        %get3A_237 = tpu.vector_load %arg5[%get3A_236] {strides = array<i32>} : memref<16384xf32, #tpu.memory_space<vmem>>, vector<16xf32>,
        %sub3A_238 = arith.constant -8.000000e+00 : f32
        %sub3A_239 = vector.broadcast %sub3A_238 : f32 to vector<16xf32>
        %sub3A_240 = arith.subf %get3A_237, %sub3A_239 : vector<16xf32>
        %mul3A_241 = arith.constant 2.560000e+02 : f32
        %mul3A_242 = vector.broadcast %mul3A_241 : f32 to vector<16xf32>
        %mul3A_243 = arith.mulf %sub3A_240, %mul3A_242 : vector<16xf32>
        %convert_element_type3A_244 = arith.fptosi %mul3A_243 : vector<16xf32> to vector<16xi32>
        %jit3A_245 = arith.constant 0 : i32
        %jit3A_246 = arith.constant 2047 : i32
        %max3A_247 = vector.broadcast %jit3A_245 : i32 to vector<16xi32>
        %max3A_248 = arith.maxsi %max3A_247, %convert_element_type3A_244 : vector<16xi32>
        %min3A_249 = vector.broadcast %jit3A_246 : i32 to vector<16xi32>
        %min3A_250 = arith.minsi %min3A_249, %max3A_248 : vector<16xi32>
        %mul3A_251 = arith.constant 2048 : i32
        %mul3A_252 = vector.broadcast %mul3A_251 : i32 to vector<16xi32>
        %mul3A_253 = arith.muli %iota3A, %mul3A_252 : vector<16xi32>
        %add3A_254 = arith.addi %mul3A_253, %min3A_250 : vector<16xi32>
        tpu.vector_store_idx %arg7[%add3A_254], %broadcast_in_dim3A_36 {add = true} : memref<32768xi32, #tpu.memory_space<vmem>>[vector<16xi32>], vector<16xi32>,
        %mul3A_255 = arith.constant 4 : i32
        %mul3A_256 = arith.muli %scan3A_206, %mul3A_255 : i32
        %add3A_257 = arith.constant 2 : i32
        %add3A_258 = arith.addi %mul3A_256, %add3A_257 : i32
        %mul3A_259 = arith.constant 16 : i32
        %mul3A_260 = arith.muli %add3A_258, %mul3A_259 : i32
        %get3A_261 = arith.index_cast %mul3A_260 : i32 to index
        %get3A_262 = tpu.vector_load %arg5[%get3A_261] {strides = array<i32>} : memref<16384xf32, #tpu.memory_space<vmem>>, vector<16xf32>,
        %sub3A_263 = arith.constant -8.000000e+00 : f32
        %sub3A_264 = vector.broadcast %sub3A_263 : f32 to vector<16xf32>
        %sub3A_265 = arith.subf %get3A_262, %sub3A_264 : vector<16xf32>
        %mul3A_266 = arith.constant 2.560000e+02 : f32
        %mul3A_267 = vector.broadcast %mul3A_266 : f32 to vector<16xf32>
        %mul3A_268 = arith.mulf %sub3A_265, %mul3A_267 : vector<16xf32>
        %convert_element_type3A_269 = arith.fptosi %mul3A_268 : vector<16xf32> to vector<16xi32>
        %jit3A_270 = arith.constant 0 : i32
        %jit3A_271 = arith.constant 2047 : i32
        %max3A_272 = vector.broadcast %jit3A_270 : i32 to vector<16xi32>
        %max3A_273 = arith.maxsi %max3A_272, %convert_element_type3A_269 : vector<16xi32>
        %min3A_274 = vector.broadcast %jit3A_271 : i32 to vector<16xi32>
        %min3A_275 = arith.minsi %min3A_274, %max3A_273 : vector<16xi32>
        %mul3A_276 = arith.constant 2048 : i32
        %mul3A_277 = vector.broadcast %mul3A_276 : i32 to vector<16xi32>
        %mul3A_278 = arith.muli %iota3A, %mul3A_277 : vector<16xi32>
        %add3A_279 = arith.addi %mul3A_278, %min3A_275 : vector<16xi32>
        tpu.vector_store_idx %arg7[%add3A_279], %broadcast_in_dim3A_36 {add = true} : memref<32768xi32, #tpu.memory_space<vmem>>[vector<16xi32>], vector<16xi32>,
        %mul3A_280 = arith.constant 4 : i32
        %mul3A_281 = arith.muli %scan3A_206, %mul3A_280 : i32
        %add3A_282 = arith.constant 3 : i32
        %add3A_283 = arith.addi %mul3A_281, %add3A_282 : i32
        %mul3A_284 = arith.constant 16 : i32
        %mul3A_285 = arith.muli %add3A_283, %mul3A_284 : i32
        %get3A_286 = arith.index_cast %mul3A_285 : i32 to index
        %get3A_287 = tpu.vector_load %arg5[%get3A_286] {strides = array<i32>} : memref<16384xf32, #tpu.memory_space<vmem>>, vector<16xf32>,
        %sub3A_288 = arith.constant -8.000000e+00 : f32
        %sub3A_289 = vector.broadcast %sub3A_288 : f32 to vector<16xf32>
        %sub3A_290 = arith.subf %get3A_287, %sub3A_289 : vector<16xf32>
        %mul3A_291 = arith.constant 2.560000e+02 : f32
        %mul3A_292 = vector.broadcast %mul3A_291 : f32 to vector<16xf32>
        %mul3A_293 = arith.mulf %sub3A_290, %mul3A_292 : vector<16xf32>
        %convert_element_type3A_294 = arith.fptosi %mul3A_293 : vector<16xf32> to vector<16xi32>
        %jit3A_295 = arith.constant 0 : i32
        %jit3A_296 = arith.constant 2047 : i32
        %max3A_297 = vector.broadcast %jit3A_295 : i32 to vector<16xi32>
        %max3A_298 = arith.maxsi %max3A_297, %convert_element_type3A_294 : vector<16xi32>
        %min3A_299 = vector.broadcast %jit3A_296 : i32 to vector<16xi32>
        %min3A_300 = arith.minsi %min3A_299, %max3A_298 : vector<16xi32>
        %mul3A_301 = arith.constant 2048 : i32
        %mul3A_302 = vector.broadcast %mul3A_301 : i32 to vector<16xi32>
        %mul3A_303 = arith.muli %iota3A, %mul3A_302 : vector<16xi32>
        %add3A_304 = arith.addi %mul3A_303, %min3A_300 : vector<16xi32>
        tpu.vector_store_idx %arg7[%add3A_304], %broadcast_in_dim3A_36 {add = true} : memref<32768xi32, #tpu.memory_space<vmem>>[vector<16xi32>], vector<16xi32>,
      }
      %scan3A_57 = arith.constant 256 : i32
      %scan3A_58 = arith.constant 0 : i32
      %scan3A_59 = arith.constant 0 : i32
      %scan3A_60 = arith.constant 128 : i32
      %scan3A_61 = arith.addi %scan3A_59, %scan3A_60 : i32
      %scan3A_62 = arith.constant 1 : i32
      scf.for %scan3A_206 = %scan3A_59 to %scan3A_61 step %scan3A_62  : i32 {
        %mul3A_207 = arith.constant 16 : i32
        %mul3A_208 = arith.muli %scan3A_206, %mul3A_207 : i32
        %get3A_209 = arith.index_cast %mul3A_208 : i32 to index
        %get3A_210 = tpu.vector_load %arg7[%get3A_209] {strides = array<i32>} : memref<32768xi32, #tpu.memory_space<vmem>>, vector<16xi32>,
        %mul3A_211 = arith.constant 16 : i32
        %mul3A_212 = arith.muli %scan3A_206, %mul3A_211 : i32
        %add3A_213 = arith.constant 2048 : i32
        %add3A_214 = arith.addi %add3A_213, %mul3A_212 : i32
        %get3A_215 = arith.index_cast %add3A_214 : i32 to index
        %get3A_216 = tpu.vector_load %arg7[%get3A_215] {strides = array<i32>} : memref<32768xi32, #tpu.memory_space<vmem>>, vector<16xi32>,
        %add3A_217 = arith.addi %get3A_210, %get3A_216 : vector<16xi32>
        %mul3A_218 = arith.constant 16 : i32
        %mul3A_219 = arith.muli %scan3A_206, %mul3A_218 : i32
        %add3A_220 = arith.constant 4096 : i32
        %add3A_221 = arith.addi %add3A_220, %mul3A_219 : i32
        %get3A_222 = arith.index_cast %add3A_221 : i32 to index
        %get3A_223 = tpu.vector_load %arg7[%get3A_222] {strides = array<i32>} : memref<32768xi32, #tpu.memory_space<vmem>>, vector<16xi32>,
        %add3A_224 = arith.addi %add3A_217, %get3A_223 : vector<16xi32>
        %mul3A_225 = arith.constant 16 : i32
        %mul3A_226 = arith.muli %scan3A_206, %mul3A_225 : i32
        %add3A_227 = arith.constant 6144 : i32
        %add3A_228 = arith.addi %add3A_227, %mul3A_226 : i32
        %get3A_229 = arith.index_cast %add3A_228 : i32 to index
        %get3A_230 = tpu.vector_load %arg7[%get3A_229] {strides = array<i32>} : memref<32768xi32, #tpu.memory_space<vmem>>, vector<16xi32>,
        %add3A_231 = arith.addi %add3A_224, %get3A_230 : vector<16xi32>
        %mul3A_232 = arith.constant 16 : i32
        %mul3A_233 = arith.muli %scan3A_206, %mul3A_232 : i32
        %add3A_234 = arith.constant 8192 : i32
        %add3A_235 = arith.addi %add3A_234, %mul3A_233 : i32
        %get3A_236 = arith.index_cast %add3A_235 : i32 to index
        %get3A_237 = tpu.vector_load %arg7[%get3A_236] {strides = array<i32>} : memref<32768xi32, #tpu.memory_space<vmem>>, vector<16xi32>,
        %add3A_238 = arith.addi %add3A_231, %get3A_237 : vector<16xi32>
        %mul3A_239 = arith.constant 16 : i32
        %mul3A_240 = arith.muli %scan3A_206, %mul3A_239 : i32
        %add3A_241 = arith.constant 10240 : i32
        %add3A_242 = arith.addi %add3A_241, %mul3A_240 : i32
        %get3A_243 = arith.index_cast %add3A_242 : i32 to index
        %get3A_244 = tpu.vector_load %arg7[%get3A_243] {strides = array<i32>} : memref<32768xi32, #tpu.memory_space<vmem>>, vector<16xi32>,
        %add3A_245 = arith.addi %add3A_238, %get3A_244 : vector<16xi32>
        %mul3A_246 = arith.constant 16 : i32
        %mul3A_247 = arith.muli %scan3A_206, %mul3A_246 : i32
        %add3A_248 = arith.constant 12288 : i32
        %add3A_249 = arith.addi %add3A_248, %mul3A_247 : i32
        %get3A_250 = arith.index_cast %add3A_249 : i32 to index
        %get3A_251 = tpu.vector_load %arg7[%get3A_250] {strides = array<i32>} : memref<32768xi32, #tpu.memory_space<vmem>>, vector<16xi32>,
        %add3A_252 = arith.addi %add3A_245, %get3A_251 : vector<16xi32>
        %mul3A_253 = arith.constant 16 : i32
        %mul3A_254 = arith.muli %scan3A_206, %mul3A_253 : i32
        %add3A_255 = arith.constant 14336 : i32
        %add3A_256 = arith.addi %add3A_255, %mul3A_254 : i32
        %get3A_257 = arith.index_cast %add3A_256 : i32 to index
        %get3A_258 = tpu.vector_load %arg7[%get3A_257] {strides = array<i32>} : memref<32768xi32, #tpu.memory_space<vmem>>, vector<16xi32>,
        %add3A_259 = arith.addi %add3A_252, %get3A_258 : vector<16xi32>
        %mul3A_260 = arith.constant 16 : i32
        %mul3A_261 = arith.muli %scan3A_206, %mul3A_260 : i32
        %add3A_262 = arith.constant 16384 : i32
        %add3A_263 = arith.addi %add3A_262, %mul3A_261 : i32
        %get3A_264 = arith.index_cast %add3A_263 : i32 to index
        %get3A_265 = tpu.vector_load %arg7[%get3A_264] {strides = array<i32>} : memref<32768xi32, #tpu.memory_space<vmem>>, vector<16xi32>,
        %add3A_266 = arith.addi %add3A_259, %get3A_265 : vector<16xi32>
        %mul3A_267 = arith.constant 16 : i32
        %mul3A_268 = arith.muli %scan3A_206, %mul3A_267 : i32
        %add3A_269 = arith.constant 18432 : i32
        %add3A_270 = arith.addi %add3A_269, %mul3A_268 : i32
        %get3A_271 = arith.index_cast %add3A_270 : i32 to index
        %get3A_272 = tpu.vector_load %arg7[%get3A_271] {strides = array<i32>} : memref<32768xi32, #tpu.memory_space<vmem>>, vector<16xi32>,
        %add3A_273 = arith.addi %add3A_266, %get3A_272 : vector<16xi32>
        %mul3A_274 = arith.constant 16 : i32
        %mul3A_275 = arith.muli %scan3A_206, %mul3A_274 : i32
        %add3A_276 = arith.constant 20480 : i32
        %add3A_277 = arith.addi %add3A_276, %mul3A_275 : i32
        %get3A_278 = arith.index_cast %add3A_277 : i32 to index
        %get3A_279 = tpu.vector_load %arg7[%get3A_278] {strides = array<i32>} : memref<32768xi32, #tpu.memory_space<vmem>>, vector<16xi32>,
        %add3A_280 = arith.addi %add3A_273, %get3A_279 : vector<16xi32>
        %mul3A_281 = arith.constant 16 : i32
        %mul3A_282 = arith.muli %scan3A_206, %mul3A_281 : i32
        %add3A_283 = arith.constant 22528 : i32
        %add3A_284 = arith.addi %add3A_283, %mul3A_282 : i32
        %get3A_285 = arith.index_cast %add3A_284 : i32 to index
        %get3A_286 = tpu.vector_load %arg7[%get3A_285] {strides = array<i32>} : memref<32768xi32, #tpu.memory_space<vmem>>, vector<16xi32>,
        %add3A_287 = arith.addi %add3A_280, %get3A_286 : vector<16xi32>
        %mul3A_288 = arith.constant 16 : i32
        %mul3A_289 = arith.muli %scan3A_206, %mul3A_288 : i32
        %add3A_290 = arith.constant 24576 : i32
        %add3A_291 = arith.addi %add3A_290, %mul3A_289 : i32
        %get3A_292 = arith.index_cast %add3A_291 : i32 to index
        %get3A_293 = tpu.vector_load %arg7[%get3A_292] {strides = array<i32>} : memref<32768xi32, #tpu.memory_space<vmem>>, vector<16xi32>,
        %add3A_294 = arith.addi %add3A_287, %get3A_293 : vector<16xi32>
        %mul3A_295 = arith.constant 16 : i32
        %mul3A_296 = arith.muli %scan3A_206, %mul3A_295 : i32
        %add3A_297 = arith.constant 26624 : i32
        %add3A_298 = arith.addi %add3A_297, %mul3A_296 : i32
        %get3A_299 = arith.index_cast %add3A_298 : i32 to index
        %get3A_300 = tpu.vector_load %arg7[%get3A_299] {strides = array<i32>} : memref<32768xi32, #tpu.memory_space<vmem>>, vector<16xi32>,
        %add3A_301 = arith.addi %add3A_294, %get3A_300 : vector<16xi32>
        %mul3A_302 = arith.constant 16 : i32
        %mul3A_303 = arith.muli %scan3A_206, %mul3A_302 : i32
        %add3A_304 = arith.constant 28672 : i32
        %add3A_305 = arith.addi %add3A_304, %mul3A_303 : i32
        %get3A_306 = arith.index_cast %add3A_305 : i32 to index
        %get3A_307 = tpu.vector_load %arg7[%get3A_306] {strides = array<i32>} : memref<32768xi32, #tpu.memory_space<vmem>>, vector<16xi32>,
        %add3A_308 = arith.addi %add3A_301, %get3A_307 : vector<16xi32>
        %mul3A_309 = arith.constant 16 : i32
        %mul3A_310 = arith.muli %scan3A_206, %mul3A_309 : i32
        %add3A_311 = arith.constant 30720 : i32
        %add3A_312 = arith.addi %add3A_311, %mul3A_310 : i32
        %get3A_313 = arith.index_cast %add3A_312 : i32 to index
        %get3A_314 = tpu.vector_load %arg7[%get3A_313] {strides = array<i32>} : memref<32768xi32, #tpu.memory_space<vmem>>, vector<16xi32>,
        %add3A_315 = arith.addi %add3A_308, %get3A_314 : vector<16xi32>
        %mul3A_316 = arith.constant 16 : i32
        %mul3A_317 = arith.muli %scan3A_206, %mul3A_316 : i32
        %swap3A_318 = arith.index_cast %mul3A_317 : i32 to index
        %swap3A_319 = tpu.vector_load %arg8[%swap3A_318] {strides = array<i32>} : memref<2048xi32, #tpu.memory_space<vmem>>, vector<16xi32>,
        tpu.vector_store %arg8[%swap3A_318], %add3A_315 {strides = array<i32>} : memref<2048xi32, #tpu.memory_space<vmem>>, vector<16xi32>,
      }
      %scan3A_63 = arith.constant 128 : i32
      %scan3A_64 = arith.constant 0 : i32
      %scan3A_65 = arith.constant 0 : i32
      %scan3A_66 = arith.constant 128 : i32
      %scan3A_67 = arith.addi %scan3A_65, %scan3A_66 : i32
      %scan3A_68 = arith.constant 1 : i32
      %scan3A_69 = scf.for %scan3A_206 = %scan3A_65 to %scan3A_67 step %scan3A_68 iter_args(%scan3A_207 = %scan3A_64) -> (i32)  : i32 {
        %mul3A_208 = arith.constant 16 : i32
        %mul3A_209 = arith.muli %scan3A_206, %mul3A_208 : i32
        %get3A_210 = arith.index_cast %mul3A_209 : i32 to index
        %get3A_211 = tpu.vector_load %arg8[%get3A_210] {strides = array<i32>} : memref<2048xi32, #tpu.memory_space<vmem>>, vector<16xi32>,
        %broadcast_in_dim3A_212 = arith.constant true
        %broadcast_in_dim3A_213 = vector.broadcast %broadcast_in_dim3A_212 : i1 to vector<16xi1>
        %masked_cumsum3A = tpu.scan <sum>, %get3A_211 masked %broadcast_in_dim3A_213 : vector<16xi32>, vector<16xi1> -> vector<16xi32>
        %sub3A_214 = arith.subi %masked_cumsum3A, %get3A_211 : vector<16xi32>
        %add3A_215 = vector.broadcast %scan3A_207 : i32 to vector<16xi32>
        %add3A_216 = arith.addi %sub3A_214, %add3A_215 : vector<16xi32>
        %mul3A_217 = arith.constant 16 : i32
        %mul3A_218 = arith.muli %scan3A_206, %mul3A_217 : i32
        %swap3A_219 = arith.index_cast %mul3A_218 : i32 to index
        %swap3A_220 = tpu.vector_load %arg9[%swap3A_219] {strides = array<i32>} : memref<2048xi32, #tpu.memory_space<vmem>>, vector<16xi32>,
        tpu.vector_store %arg9[%swap3A_219], %add3A_216 {strides = array<i32>} : memref<2048xi32, #tpu.memory_space<vmem>>, vector<16xi32>,
        %reduce_max3A_221 = arith.constant true
        %reduce_max3A_222 = vector.broadcast %reduce_max3A_221 : i1 to vector<16xi1>
        %reduce_max3A_223 = arith.constant -2147483648 : i32
        %reduce_max3A_224 = vector.broadcast %reduce_max3A_223 : i32 to vector<16xi32>
        %reduce_max3A_225 = arith.xori %masked_cumsum3A, %reduce_max3A_224 : vector<16xi32>
        %reduce_max3A_226 = tpu.scan <max>, %reduce_max3A_225 masked %reduce_max3A_222 : vector<16xi32>, vector<16xi1> -> vector<16xi32>
        %reduce_max3A_227 = arith.xori %reduce_max3A_226, %reduce_max3A_224 : vector<16xi32>
        %reduce_max3A_228 = vector.extract %reduce_max3A_227[15] : i32 from vector<16xi32>
        %add3A_229 = arith.addi %scan3A_207, %reduce_max3A_228 : i32
        scf.yield %add3A_229 : i32
      }
      %scan3A_70 = arith.constant 128 : i32
      %scan3A_71 = arith.constant 0 : i32
      %scan3A_72 = arith.constant 0 : i32
      %scan3A_73 = arith.constant 512 : i32
      %scan3A_74 = arith.addi %scan3A_72, %scan3A_73 : i32
      %scan3A_75 = arith.constant 1 : i32
      scf.for %scan3A_206 = %scan3A_72 to %scan3A_74 step %scan3A_75  : i32 {
        %mul3A_207 = arith.constant 4 : i32
        %mul3A_208 = arith.muli %scan3A_206, %mul3A_207 : i32
        %add3A_209 = arith.constant 0 : i32
        %add3A_210 = arith.addi %mul3A_208, %add3A_209 : i32
        %mul3A_211 = arith.constant 16 : i32
        %mul3A_212 = arith.muli %add3A_210, %mul3A_211 : i32
        %swap3A_213 = arith.index_cast %mul3A_212 : i32 to index
        %swap3A_214 = tpu.vector_load %arg7[%swap3A_213] {strides = array<i32>} : memref<32768xi32, #tpu.memory_space<vmem>>, vector<16xi32>,
        tpu.vector_store %arg7[%swap3A_213], %broadcast_in_dim3A_34 {strides = array<i32>} : memref<32768xi32, #tpu.memory_space<vmem>>, vector<16xi32>,
        %mul3A_215 = arith.constant 4 : i32
        %mul3A_216 = arith.muli %scan3A_206, %mul3A_215 : i32
        %add3A_217 = arith.constant 1 : i32
        %add3A_218 = arith.addi %mul3A_216, %add3A_217 : i32
        %mul3A_219 = arith.constant 16 : i32
        %mul3A_220 = arith.muli %add3A_218, %mul3A_219 : i32
        %swap3A_221 = arith.index_cast %mul3A_220 : i32 to index
        %swap3A_222 = tpu.vector_load %arg7[%swap3A_221] {strides = array<i32>} : memref<32768xi32, #tpu.memory_space<vmem>>, vector<16xi32>,
        tpu.vector_store %arg7[%swap3A_221], %broadcast_in_dim3A_34 {strides = array<i32>} : memref<32768xi32, #tpu.memory_space<vmem>>, vector<16xi32>,
        %mul3A_223 = arith.constant 4 : i32
        %mul3A_224 = arith.muli %scan3A_206, %mul3A_223 : i32
        %add3A_225 = arith.constant 2 : i32
        %add3A_226 = arith.addi %mul3A_224, %add3A_225 : i32
        %mul3A_227 = arith.constant 16 : i32
        %mul3A_228 = arith.muli %add3A_226, %mul3A_227 : i32
        %swap3A_229 = arith.index_cast %mul3A_228 : i32 to index
        %swap3A_230 = tpu.vector_load %arg7[%swap3A_229] {strides = array<i32>} : memref<32768xi32, #tpu.memory_space<vmem>>, vector<16xi32>,
        tpu.vector_store %arg7[%swap3A_229], %broadcast_in_dim3A_34 {strides = array<i32>} : memref<32768xi32, #tpu.memory_space<vmem>>, vector<16xi32>,
        %mul3A_231 = arith.constant 4 : i32
        %mul3A_232 = arith.muli %scan3A_206, %mul3A_231 : i32
        %add3A_233 = arith.constant 3 : i32
        %add3A_234 = arith.addi %mul3A_232, %add3A_233 : i32
        %mul3A_235 = arith.constant 16 : i32
        %mul3A_236 = arith.muli %add3A_234, %mul3A_235 : i32
        %swap3A_237 = arith.index_cast %mul3A_236 : i32 to index
        %swap3A_238 = tpu.vector_load %arg7[%swap3A_237] {strides = array<i32>} : memref<32768xi32, #tpu.memory_space<vmem>>, vector<16xi32>,
        tpu.vector_store %arg7[%swap3A_237], %broadcast_in_dim3A_34 {strides = array<i32>} : memref<32768xi32, #tpu.memory_space<vmem>>, vector<16xi32>,
      }
      %scan3A_76 = arith.constant 512 : i32
      %scan3A_77 = arith.constant 0 : i32
      %scan3A_78 = arith.constant 1024 : i32
      %scan3A_79 = arith.addi %scan3A_77, %scan3A_78 : i32
      %scan3A_80 = arith.constant 1 : i32
      %scan3A_81:2 = scf.for %scan3A_206 = %scan3A_77 to %scan3A_79 step %scan3A_80 iter_args(%scan3A_207 = %broadcast_in_dim3A_34, %scan3A_208 = %broadcast_in_dim3A_34) -> (vector<16xi32>, vector<16xi32>)  : i32 {
        %mul3A_209 = arith.constant 16 : i32
        %mul3A_210 = arith.muli %scan3A_206, %mul3A_209 : i32
        %get3A_211 = arith.index_cast %mul3A_210 : i32 to index
        %get3A_212 = tpu.vector_load %arg5[%get3A_211] {strides = array<i32>} : memref<16384xf32, #tpu.memory_space<vmem>>, vector<16xf32>,
        %mul3A_213 = arith.constant 16 : i32
        %mul3A_214 = arith.muli %scan3A_206, %mul3A_213 : i32
        %get3A_215 = arith.index_cast %mul3A_214 : i32 to index
        %get3A_216 = tpu.vector_load %arg6[%get3A_215] {strides = array<i32>} : memref<16384xi32, #tpu.memory_space<vmem>>, vector<16xi32>,
        %sub3A_217 = arith.constant -8.000000e+00 : f32
        %sub3A_218 = vector.broadcast %sub3A_217 : f32 to vector<16xf32>
        %sub3A_219 = arith.subf %get3A_212, %sub3A_218 : vector<16xf32>
        %mul3A_220 = arith.constant 2.560000e+02 : f32
        %mul3A_221 = vector.broadcast %mul3A_220 : f32 to vector<16xf32>
        %mul3A_222 = arith.mulf %sub3A_219, %mul3A_221 : vector<16xf32>
        %convert_element_type3A_223 = arith.fptosi %mul3A_222 : vector<16xf32> to vector<16xi32>
        %jit3A_224 = arith.constant 0 : i32
        %jit3A_225 = arith.constant 2047 : i32
        %max3A = vector.broadcast %jit3A_224 : i32 to vector<16xi32>
        %max3A_226 = arith.maxsi %max3A, %convert_element_type3A_223 : vector<16xi32>
        %min3A = vector.broadcast %jit3A_225 : i32 to vector<16xi32>
        %min3A_227 = arith.minsi %min3A, %max3A_226 : vector<16xi32>
        %eq3A_228 = vector.broadcast %select_n3A_12 : i32 to vector<16xi32>
        %eq3A_229 = arith.cmpi eq, %get3A_216, %eq3A_228 : vector<16xi32>
        %gather3A = tpu.vector_load_idx %arg9[%min3A_227] : memref<2048xi32, #tpu.memory_space<vmem>>[vector<16xi32>], vector<16xi32>,
        %eq3A_230 = arith.constant 0 : i32
        %eq3A_231 = arith.cmpi eq, %select_n3A_33, %eq3A_230 : i32
        %and3A_232 = vector.broadcast %eq3A_231 : i1 to vector<16xi1>
        %and3A_233 = arith.andi %eq3A_229, %and3A_232 : vector<16xi1>
        %jit3A_234 = arith.constant 0 : i32
        %broadcast_in_dim3A_235 = vector.broadcast %jit3A_234 : i32 to vector<16xi32>
        %select_n3A_236 = arith.select %and3A_233, %gather3A, %broadcast_in_dim3A_235 : vector<16xi1>, vector<16xi32>
        %add3A_237 = arith.addi %scan3A_208, %select_n3A_236 : vector<16xi32>
        %jit3A_238 = arith.constant 1 : i32
        %jit3A_239 = arith.constant 0 : i32
        %broadcast_in_dim3A_240 = vector.broadcast %jit3A_238 : i32 to vector<16xi32>
        %broadcast_in_dim3A_241 = vector.broadcast %jit3A_239 : i32 to vector<16xi32>
        %select_n3A_242 = arith.select %eq3A_229, %broadcast_in_dim3A_240, %broadcast_in_dim3A_241 : vector<16xi1>, vector<16xi32>
        %broadcast_in_dim3A_243 = arith.constant true
        %broadcast_in_dim3A_244 = vector.broadcast %broadcast_in_dim3A_243 : i1 to vector<16xi1>
        %masked_cumsum3A = tpu.scan <sum>, %select_n3A_242 masked %broadcast_in_dim3A_244 : vector<16xi32>, vector<16xi1> -> vector<16xi32>
        %add3A_245 = arith.addi %scan3A_207, %masked_cumsum3A : vector<16xi32>
        %sub3A_246 = arith.constant 1 : i32
        %sub3A_247 = vector.broadcast %sub3A_246 : i32 to vector<16xi32>
        %sub3A_248 = arith.subi %add3A_245, %sub3A_247 : vector<16xi32>
        tpu.vector_store_idx %arg14[%sub3A_248], %get3A_212 masked %eq3A_229 : memref<16400xf32, #tpu.memory_space<vmem>>[vector<16xi32>], vector<16xf32>, vector<16xi1>
        tpu.vector_store_idx %arg15[%sub3A_248], %min3A_227 masked %eq3A_229 : memref<16400xi32, #tpu.memory_space<vmem>>[vector<16xi32>], vector<16xi32>, vector<16xi1>
        %mul3A_249 = arith.constant 2048 : i32
        %mul3A_250 = vector.broadcast %mul3A_249 : i32 to vector<16xi32>
        %mul3A_251 = arith.muli %iota3A, %mul3A_250 : vector<16xi32>
        %add3A_252 = arith.addi %mul3A_251, %min3A_227 : vector<16xi32>
        tpu.vector_store_idx %arg7[%add3A_252], %broadcast_in_dim3A_36 masked %eq3A_229 {add = true} : memref<32768xi32, #tpu.memory_space<vmem>>[vector<16xi32>], vector<16xi32>, vector<16xi1>
        %all_reduce_population_count3A = tpu.all_reduce %eq3A_229 {dim = 0 : i64, kind = #tpu.reduction_kind<sum>} : vector<16xi1> -> vector<16xi32>
        %add3A_253 = arith.addi %scan3A_207, %all_reduce_population_count3A : vector<16xi32>
        scf.yield %add3A_253, %add3A_237 : vector<16xi32>, vector<16xi32>
      }
      %scan3A_82 = arith.constant 1024 : i32
      %reduce_max3A = arith.constant true
      %reduce_max3A_83 = vector.broadcast %reduce_max3A : i1 to vector<16xi1>
      %reduce_max3A_84 = arith.constant -2147483648 : i32
      %reduce_max3A_85 = vector.broadcast %reduce_max3A_84 : i32 to vector<16xi32>
      %reduce_max3A_86 = arith.xori %scan3A_81#0, %reduce_max3A_85 : vector<16xi32>
      %reduce_max3A_87 = tpu.scan <max>, %reduce_max3A_86 masked %reduce_max3A_83 : vector<16xi32>, vector<16xi1> -> vector<16xi32>
      %reduce_max3A_88 = arith.xori %reduce_max3A_87, %reduce_max3A_85 : vector<16xi32>
      %reduce_max3A_89 = vector.extract %reduce_max3A_88[15] : i32 from vector<16xi32>
      %scan3A_90 = arith.constant 0 : i32
      %scan3A_91 = arith.constant 0 : i32
      %scan3A_92 = arith.constant 128 : i32
      %scan3A_93 = arith.addi %scan3A_91, %scan3A_92 : i32
      %scan3A_94 = arith.constant 1 : i32
      scf.for %scan3A_206 = %scan3A_91 to %scan3A_93 step %scan3A_94  : i32 {
        %mul3A_207 = arith.constant 16 : i32
        %mul3A_208 = arith.muli %scan3A_206, %mul3A_207 : i32
        %get3A_209 = arith.index_cast %mul3A_208 : i32 to index
        %get3A_210 = tpu.vector_load %arg7[%get3A_209] {strides = array<i32>} : memref<32768xi32, #tpu.memory_space<vmem>>, vector<16xi32>,
        %mul3A_211 = arith.constant 16 : i32
        %mul3A_212 = arith.muli %scan3A_206, %mul3A_211 : i32
        %add3A_213 = arith.constant 2048 : i32
        %add3A_214 = arith.addi %add3A_213, %mul3A_212 : i32
        %get3A_215 = arith.index_cast %add3A_214 : i32 to index
        %get3A_216 = tpu.vector_load %arg7[%get3A_215] {strides = array<i32>} : memref<32768xi32, #tpu.memory_space<vmem>>, vector<16xi32>,
        %add3A_217 = arith.addi %get3A_210, %get3A_216 : vector<16xi32>
        %mul3A_218 = arith.constant 16 : i32
        %mul3A_219 = arith.muli %scan3A_206, %mul3A_218 : i32
        %add3A_220 = arith.constant 4096 : i32
        %add3A_221 = arith.addi %add3A_220, %mul3A_219 : i32
        %get3A_222 = arith.index_cast %add3A_221 : i32 to index
        %get3A_223 = tpu.vector_load %arg7[%get3A_222] {strides = array<i32>} : memref<32768xi32, #tpu.memory_space<vmem>>, vector<16xi32>,
        %add3A_224 = arith.addi %add3A_217, %get3A_223 : vector<16xi32>
        %mul3A_225 = arith.constant 16 : i32
        %mul3A_226 = arith.muli %scan3A_206, %mul3A_225 : i32
        %add3A_227 = arith.constant 6144 : i32
        %add3A_228 = arith.addi %add3A_227, %mul3A_226 : i32
        %get3A_229 = arith.index_cast %add3A_228 : i32 to index
        %get3A_230 = tpu.vector_load %arg7[%get3A_229] {strides = array<i32>} : memref<32768xi32, #tpu.memory_space<vmem>>, vector<16xi32>,
        %add3A_231 = arith.addi %add3A_224, %get3A_230 : vector<16xi32>
        %mul3A_232 = arith.constant 16 : i32
        %mul3A_233 = arith.muli %scan3A_206, %mul3A_232 : i32
        %add3A_234 = arith.constant 8192 : i32
        %add3A_235 = arith.addi %add3A_234, %mul3A_233 : i32
        %get3A_236 = arith.index_cast %add3A_235 : i32 to index
        %get3A_237 = tpu.vector_load %arg7[%get3A_236] {strides = array<i32>} : memref<32768xi32, #tpu.memory_space<vmem>>, vector<16xi32>,
        %add3A_238 = arith.addi %add3A_231, %get3A_237 : vector<16xi32>
        %mul3A_239 = arith.constant 16 : i32
        %mul3A_240 = arith.muli %scan3A_206, %mul3A_239 : i32
        %add3A_241 = arith.constant 10240 : i32
        %add3A_242 = arith.addi %add3A_241, %mul3A_240 : i32
        %get3A_243 = arith.index_cast %add3A_242 : i32 to index
        %get3A_244 = tpu.vector_load %arg7[%get3A_243] {strides = array<i32>} : memref<32768xi32, #tpu.memory_space<vmem>>, vector<16xi32>,
        %add3A_245 = arith.addi %add3A_238, %get3A_244 : vector<16xi32>
        %mul3A_246 = arith.constant 16 : i32
        %mul3A_247 = arith.muli %scan3A_206, %mul3A_246 : i32
        %add3A_248 = arith.constant 12288 : i32
        %add3A_249 = arith.addi %add3A_248, %mul3A_247 : i32
        %get3A_250 = arith.index_cast %add3A_249 : i32 to index
        %get3A_251 = tpu.vector_load %arg7[%get3A_250] {strides = array<i32>} : memref<32768xi32, #tpu.memory_space<vmem>>, vector<16xi32>,
        %add3A_252 = arith.addi %add3A_245, %get3A_251 : vector<16xi32>
        %mul3A_253 = arith.constant 16 : i32
        %mul3A_254 = arith.muli %scan3A_206, %mul3A_253 : i32
        %add3A_255 = arith.constant 14336 : i32
        %add3A_256 = arith.addi %add3A_255, %mul3A_254 : i32
        %get3A_257 = arith.index_cast %add3A_256 : i32 to index
        %get3A_258 = tpu.vector_load %arg7[%get3A_257] {strides = array<i32>} : memref<32768xi32, #tpu.memory_space<vmem>>, vector<16xi32>,
        %add3A_259 = arith.addi %add3A_252, %get3A_258 : vector<16xi32>
        %mul3A_260 = arith.constant 16 : i32
        %mul3A_261 = arith.muli %scan3A_206, %mul3A_260 : i32
        %add3A_262 = arith.constant 16384 : i32
        %add3A_263 = arith.addi %add3A_262, %mul3A_261 : i32
        %get3A_264 = arith.index_cast %add3A_263 : i32 to index
        %get3A_265 = tpu.vector_load %arg7[%get3A_264] {strides = array<i32>} : memref<32768xi32, #tpu.memory_space<vmem>>, vector<16xi32>,
        %add3A_266 = arith.addi %add3A_259, %get3A_265 : vector<16xi32>
        %mul3A_267 = arith.constant 16 : i32
        %mul3A_268 = arith.muli %scan3A_206, %mul3A_267 : i32
        %add3A_269 = arith.constant 18432 : i32
        %add3A_270 = arith.addi %add3A_269, %mul3A_268 : i32
        %get3A_271 = arith.index_cast %add3A_270 : i32 to index
        %get3A_272 = tpu.vector_load %arg7[%get3A_271] {strides = array<i32>} : memref<32768xi32, #tpu.memory_space<vmem>>, vector<16xi32>,
        %add3A_273 = arith.addi %add3A_266, %get3A_272 : vector<16xi32>
        %mul3A_274 = arith.constant 16 : i32
        %mul3A_275 = arith.muli %scan3A_206, %mul3A_274 : i32
        %add3A_276 = arith.constant 20480 : i32
        %add3A_277 = arith.addi %add3A_276, %mul3A_275 : i32
        %get3A_278 = arith.index_cast %add3A_277 : i32 to index
        %get3A_279 = tpu.vector_load %arg7[%get3A_278] {strides = array<i32>} : memref<32768xi32, #tpu.memory_space<vmem>>, vector<16xi32>,
        %add3A_280 = arith.addi %add3A_273, %get3A_279 : vector<16xi32>
        %mul3A_281 = arith.constant 16 : i32
        %mul3A_282 = arith.muli %scan3A_206, %mul3A_281 : i32
        %add3A_283 = arith.constant 22528 : i32
        %add3A_284 = arith.addi %add3A_283, %mul3A_282 : i32
        %get3A_285 = arith.index_cast %add3A_284 : i32 to index
        %get3A_286 = tpu.vector_load %arg7[%get3A_285] {strides = array<i32>} : memref<32768xi32, #tpu.memory_space<vmem>>, vector<16xi32>,
        %add3A_287 = arith.addi %add3A_280, %get3A_286 : vector<16xi32>
        %mul3A_288 = arith.constant 16 : i32
        %mul3A_289 = arith.muli %scan3A_206, %mul3A_288 : i32
        %add3A_290 = arith.constant 24576 : i32
        %add3A_291 = arith.addi %add3A_290, %mul3A_289 : i32
        %get3A_292 = arith.index_cast %add3A_291 : i32 to index
        %get3A_293 = tpu.vector_load %arg7[%get3A_292] {strides = array<i32>} : memref<32768xi32, #tpu.memory_space<vmem>>, vector<16xi32>,
        %add3A_294 = arith.addi %add3A_287, %get3A_293 : vector<16xi32>
        %mul3A_295 = arith.constant 16 : i32
        %mul3A_296 = arith.muli %scan3A_206, %mul3A_295 : i32
        %add3A_297 = arith.constant 26624 : i32
        %add3A_298 = arith.addi %add3A_297, %mul3A_296 : i32
        %get3A_299 = arith.index_cast %add3A_298 : i32 to index
        %get3A_300 = tpu.vector_load %arg7[%get3A_299] {strides = array<i32>} : memref<32768xi32, #tpu.memory_space<vmem>>, vector<16xi32>,
        %add3A_301 = arith.addi %add3A_294, %get3A_300 : vector<16xi32>
        %mul3A_302 = arith.constant 16 : i32
        %mul3A_303 = arith.muli %scan3A_206, %mul3A_302 : i32
        %add3A_304 = arith.constant 28672 : i32
        %add3A_305 = arith.addi %add3A_304, %mul3A_303 : i32
        %get3A_306 = arith.index_cast %add3A_305 : i32 to index
        %get3A_307 = tpu.vector_load %arg7[%get3A_306] {strides = array<i32>} : memref<32768xi32, #tpu.memory_space<vmem>>, vector<16xi32>,
        %add3A_308 = arith.addi %add3A_301, %get3A_307 : vector<16xi32>
        %mul3A_309 = arith.constant 16 : i32
        %mul3A_310 = arith.muli %scan3A_206, %mul3A_309 : i32
        %add3A_311 = arith.constant 30720 : i32
        %add3A_312 = arith.addi %add3A_311, %mul3A_310 : i32
        %get3A_313 = arith.index_cast %add3A_312 : i32 to index
        %get3A_314 = tpu.vector_load %arg7[%get3A_313] {strides = array<i32>} : memref<32768xi32, #tpu.memory_space<vmem>>, vector<16xi32>,
        %add3A_315 = arith.addi %add3A_308, %get3A_314 : vector<16xi32>
        %mul3A_316 = arith.constant 16 : i32
        %mul3A_317 = arith.muli %scan3A_206, %mul3A_316 : i32
        %swap3A_318 = arith.index_cast %mul3A_317 : i32 to index
        %swap3A_319 = tpu.vector_load %arg8[%swap3A_318] {strides = array<i32>} : memref<2048xi32, #tpu.memory_space<vmem>>, vector<16xi32>,
        tpu.vector_store %arg8[%swap3A_318], %add3A_315 {strides = array<i32>} : memref<2048xi32, #tpu.memory_space<vmem>>, vector<16xi32>,
      }
      %scan3A_95 = arith.constant 128 : i32
      %scan3A_96 = arith.constant 0 : i32
      %scan3A_97 = arith.constant 0 : i32
      %scan3A_98 = arith.constant 128 : i32
      %scan3A_99 = arith.addi %scan3A_97, %scan3A_98 : i32
      %scan3A_100 = arith.constant 1 : i32
      %scan3A_101 = scf.for %scan3A_206 = %scan3A_97 to %scan3A_99 step %scan3A_100 iter_args(%scan3A_207 = %scan3A_96) -> (i32)  : i32 {
        %mul3A_208 = arith.constant 16 : i32
        %mul3A_209 = arith.muli %scan3A_206, %mul3A_208 : i32
        %get3A_210 = arith.index_cast %mul3A_209 : i32 to index
        %get3A_211 = tpu.vector_load %arg8[%get3A_210] {strides = array<i32>} : memref<2048xi32, #tpu.memory_space<vmem>>, vector<16xi32>,
        %broadcast_in_dim3A_212 = arith.constant true
        %broadcast_in_dim3A_213 = vector.broadcast %broadcast_in_dim3A_212 : i1 to vector<16xi1>
        %masked_cumsum3A = tpu.scan <sum>, %get3A_211 masked %broadcast_in_dim3A_213 : vector<16xi32>, vector<16xi1> -> vector<16xi32>
        %sub3A_214 = arith.subi %masked_cumsum3A, %get3A_211 : vector<16xi32>
        %add3A_215 = vector.broadcast %scan3A_207 : i32 to vector<16xi32>
        %add3A_216 = arith.addi %sub3A_214, %add3A_215 : vector<16xi32>
        %mul3A_217 = arith.constant 16 : i32
        %mul3A_218 = arith.muli %scan3A_206, %mul3A_217 : i32
        %swap3A_219 = arith.index_cast %mul3A_218 : i32 to index
        %swap3A_220 = tpu.vector_load %arg10[%swap3A_219] {strides = array<i32>} : memref<2048xi32, #tpu.memory_space<vmem>>, vector<16xi32>,
        tpu.vector_store %arg10[%swap3A_219], %get3A_211 {strides = array<i32>} : memref<2048xi32, #tpu.memory_space<vmem>>, vector<16xi32>,
        %mul3A_221 = arith.constant 16 : i32
        %mul3A_222 = arith.muli %scan3A_206, %mul3A_221 : i32
        %swap3A_223 = arith.index_cast %mul3A_222 : i32 to index
        %swap3A_224 = tpu.vector_load %arg11[%swap3A_223] {strides = array<i32>} : memref<2048xi32, #tpu.memory_space<vmem>>, vector<16xi32>,
        tpu.vector_store %arg11[%swap3A_223], %add3A_216 {strides = array<i32>} : memref<2048xi32, #tpu.memory_space<vmem>>, vector<16xi32>,
        %mul3A_225 = arith.constant 16 : i32
        %mul3A_226 = arith.muli %scan3A_206, %mul3A_225 : i32
        %swap3A_227 = arith.index_cast %mul3A_226 : i32 to index
        %swap3A_228 = tpu.vector_load %arg12[%swap3A_227] {strides = array<i32>} : memref<2048xi32, #tpu.memory_space<vmem>>, vector<16xi32>,
        tpu.vector_store %arg12[%swap3A_227], %add3A_216 {strides = array<i32>} : memref<2048xi32, #tpu.memory_space<vmem>>, vector<16xi32>,
        %reduce_max3A_229 = arith.constant true
        %reduce_max3A_230 = vector.broadcast %reduce_max3A_229 : i1 to vector<16xi1>
        %reduce_max3A_231 = arith.constant -2147483648 : i32
        %reduce_max3A_232 = vector.broadcast %reduce_max3A_231 : i32 to vector<16xi32>
        %reduce_max3A_233 = arith.xori %masked_cumsum3A, %reduce_max3A_232 : vector<16xi32>
        %reduce_max3A_234 = tpu.scan <max>, %reduce_max3A_233 masked %reduce_max3A_230 : vector<16xi32>, vector<16xi1> -> vector<16xi32>
        %reduce_max3A_235 = arith.xori %reduce_max3A_234, %reduce_max3A_232 : vector<16xi32>
        %reduce_max3A_236 = vector.extract %reduce_max3A_235[15] : i32 from vector<16xi32>
        %add3A_237 = arith.addi %scan3A_207, %reduce_max3A_236 : i32
        scf.yield %add3A_237 : i32
      }
      %scan3A_102 = arith.constant 128 : i32
      %jit3A_103 = arith.constant 16 : i32
      %div3A_104 = arith.divsi %reduce_max3A_89, %jit3A_103 : i32
      %sign3A_105 = arith.constant 0 : i32
      %sign3A_106 = arith.cmpi sgt, %reduce_max3A_89, %sign3A_105 : i32
      %sign3A_107 = arith.extui %sign3A_106 : i1 to i32
      %sign3A_108 = arith.constant 0 : i32
      %sign3A_109 = arith.cmpi slt, %reduce_max3A_89, %sign3A_108 : i32
      %sign3A_110 = arith.extui %sign3A_109 : i1 to i32
      %sign3A_111 = arith.subi %sign3A_107, %sign3A_110 : i32
      %sign3A_112 = arith.constant 0 : i32
      %sign3A_113 = arith.cmpi sgt, %jit3A_103, %sign3A_112 : i32
      %sign3A_114 = arith.extui %sign3A_113 : i1 to i32
      %sign3A_115 = arith.constant 0 : i32
      %sign3A_116 = arith.cmpi slt, %jit3A_103, %sign3A_115 : i32
      %sign3A_117 = arith.extui %sign3A_116 : i1 to i32
      %sign3A_118 = arith.subi %sign3A_114, %sign3A_117 : i32
      %ne3A_119 = arith.cmpi ne, %sign3A_111, %sign3A_118 : i32
      %rem3A_120 = arith.remsi %reduce_max3A_89, %jit3A_103 : i32
      %ne3A_121 = arith.constant 0 : i32
      %ne3A_122 = arith.cmpi ne, %rem3A_120, %ne3A_121 : i32
      %and3A_123 = arith.andi %ne3A_119, %ne3A_122 : i1
      %sub3A_124 = arith.constant 1 : i32
      %sub3A_125 = arith.subi %div3A_104, %sub3A_124 : i32
      %select_n3A_126 = arith.select %and3A_123, %sub3A_125, %div3A_104 : i32
      %while3A = arith.constant 0 : i32
      %while3A_127 = arith.constant 0 : i32
      %while3A_128 = arith.subi %select_n3A_126, %while3A_127 : i32
      %while3A_129 = arith.addi %while3A_127, %while3A_128 : i32
      %while3A_130 = arith.constant 1 : i32
      %while3A_131 = arith.divsi %while3A_128, %while3A_130 : i32
      %while3A_132 = arith.muli %while3A_131, %while3A_130 : i32
      %while3A_133 = arith.addi %while3A_127, %while3A_132 : i32
      %while3A_134 = arith.constant 1 : i32
      scf.for %while3A_206 = %while3A_127 to %while3A_133 step %while3A_134  : i32 {
        %mul3A_207 = arith.constant 16 : i32
        %mul3A_208 = arith.muli %while3A_206, %mul3A_207 : i32
        %get3A_209 = arith.index_cast %mul3A_208 : i32 to index
        %get3A_210 = tpu.vector_load %arg15[%get3A_209] {strides = array<i32>} : memref<16400xi32, #tpu.memory_space<vmem>>, vector<16xi32>,
        %mul3A_211 = arith.constant 16 : i32
        %mul3A_212 = arith.muli %while3A_206, %mul3A_211 : i32
        %get3A_213 = arith.index_cast %mul3A_212 : i32 to index
        %get3A_214 = tpu.vector_load %arg14[%get3A_213] {strides = array<i32>} : memref<16400xf32, #tpu.memory_space<vmem>>, vector<16xf32>,
        %masked_sort3A = arith.constant dense<true> : vector<16xi1>
        %masked_sort3A_215 = arith.constant -2147483648 : i32
        %masked_sort3A_216 = vector.broadcast %masked_sort3A_215 : i32 to vector<16xi32>
        %masked_sort3A_217 = arith.xori %get3A_210, %masked_sort3A_216 : vector<16xi32>
        %masked_sort3A_218, %masked_sort3A_219, %masked_sort3A_220 = tpu.sort %masked_sort3A_217, %get3A_214 masked %masked_sort3A : (vector<16xi32>, vector<16xf32>, vector<16xi1>) -> (vector<16xi1>, vector<16xi32>, vector<16xf32>)
        %masked_sort3A_221 = arith.xori %masked_sort3A_219, %masked_sort3A_216 : vector<16xi32>
        %swap3A_222 = arith.constant 0 : index
        %swap3A_223 = tpu.vector_load %arg17[%swap3A_222] {strides = array<i32>} : memref<16xi32, #tpu.memory_space<vmem>>, vector<16xi32>,
        tpu.vector_store %arg17[%swap3A_222], %masked_sort3A_221 {strides = array<i32>} : memref<16xi32, #tpu.memory_space<vmem>>, vector<16xi32>,
        %sub3A_224 = arith.constant 1 : i32
        %sub3A_225 = vector.broadcast %sub3A_224 : i32 to vector<16xi32>
        %sub3A_226 = arith.subi %iota3A, %sub3A_225 : vector<16xi32>
        %max3A = arith.constant 0 : i32
        %max3A_227 = vector.broadcast %max3A : i32 to vector<16xi32>
        %max3A_228 = arith.maxsi %sub3A_226, %max3A_227 : vector<16xi32>
        %gather3A = tpu.vector_load_idx %arg17[%max3A_228] : memref<16xi32, #tpu.memory_space<vmem>>[vector<16xi32>], vector<16xi32>,
        %add3A_229 = arith.constant 1 : i32
        %add3A_230 = vector.broadcast %add3A_229 : i32 to vector<16xi32>
        %add3A_231 = arith.addi %iota3A, %add3A_230 : vector<16xi32>
        %min3A = arith.constant 15 : i32
        %min3A_232 = vector.broadcast %min3A : i32 to vector<16xi32>
        %min3A_233 = arith.minsi %add3A_231, %min3A_232 : vector<16xi32>
        %gather3A_234 = tpu.vector_load_idx %arg17[%min3A_233] : memref<16xi32, #tpu.memory_space<vmem>>[vector<16xi32>], vector<16xi32>,
        %eq3A_235 = arith.constant 0 : i32
        %eq3A_236 = vector.broadcast %eq3A_235 : i32 to vector<16xi32>
        %eq3A_237 = arith.cmpi eq, %iota3A, %eq3A_236 : vector<16xi32>
        %ne3A_238 = arith.cmpi ne, %masked_sort3A_221, %gather3A : vector<16xi32>
        %or3A = arith.ori %eq3A_237, %ne3A_238 : vector<16xi1>
        %eq3A_239 = arith.constant 15 : i32
        %eq3A_240 = vector.broadcast %eq3A_239 : i32 to vector<16xi32>
        %eq3A_241 = arith.cmpi eq, %iota3A, %eq3A_240 : vector<16xi32>
        %ne3A_242 = arith.cmpi ne, %masked_sort3A_221, %gather3A_234 : vector<16xi32>
        %or3A_243 = arith.ori %eq3A_241, %ne3A_242 : vector<16xi1>
        %jit3A_244 = arith.constant 0 : i32
        %broadcast_in_dim3A_245 = vector.broadcast %jit3A_244 : i32 to vector<16xi32>
        %select_n3A_246 = arith.select %or3A, %iota3A, %broadcast_in_dim3A_245 : vector<16xi1>, vector<16xi32>
        %broadcast_in_dim3A_247 = arith.constant true
        %broadcast_in_dim3A_248 = vector.broadcast %broadcast_in_dim3A_247 : i1 to vector<16xi1>
        %masked_cummax3A = arith.constant -2147483648 : i32
        %masked_cummax3A_249 = vector.broadcast %masked_cummax3A : i32 to vector<16xi32>
        %masked_cummax3A_250 = arith.xori %select_n3A_246, %masked_cummax3A_249 : vector<16xi32>
        %masked_cummax3A_251 = tpu.scan <max>, %masked_cummax3A_250 masked %broadcast_in_dim3A_248 : vector<16xi32>, vector<16xi1> -> vector<16xi32>
        %masked_cummax3A_252 = arith.xori %masked_cummax3A_251, %masked_cummax3A_249 : vector<16xi32>
        %sub3A_253 = arith.subi %iota3A, %masked_cummax3A_252 : vector<16xi32>
        %gather3A_254 = tpu.vector_load_idx %arg12[%masked_sort3A_221] : memref<2048xi32, #tpu.memory_space<vmem>>[vector<16xi32>], vector<16xi32>,
        %add3A_255 = arith.addi %gather3A_254, %sub3A_253 : vector<16xi32>
        tpu.vector_store_idx %arg13[%add3A_255], %masked_sort3A_220 : memref<16384xf32, #tpu.memory_space<vmem>>[vector<16xi32>], vector<16xf32>,
        %add3A_256 = arith.constant 1 : i32
        %add3A_257 = vector.broadcast %add3A_256 : i32 to vector<16xi32>
        %add3A_258 = arith.addi %add3A_255, %add3A_257 : vector<16xi32>
        tpu.vector_store_idx %arg12[%masked_sort3A_221], %add3A_258 masked %or3A_243 : memref<2048xi32, #tpu.memory_space<vmem>>[vector<16xi32>], vector<16xi32>, vector<16xi1>
      }
      %while3A_135 = arith.constant 1 : i32
      scf.for %while3A_206 = %while3A_133 to %while3A_129 step %while3A_135  : i32 {
        %mul3A_207 = arith.constant 16 : i32
        %mul3A_208 = arith.muli %while3A_206, %mul3A_207 : i32
        %get3A_209 = arith.index_cast %mul3A_208 : i32 to index
        %get3A_210 = tpu.vector_load %arg15[%get3A_209] {strides = array<i32>} : memref<16400xi32, #tpu.memory_space<vmem>>, vector<16xi32>,
        %mul3A_211 = arith.constant 16 : i32
        %mul3A_212 = arith.muli %while3A_206, %mul3A_211 : i32
        %get3A_213 = arith.index_cast %mul3A_212 : i32 to index
        %get3A_214 = tpu.vector_load %arg14[%get3A_213] {strides = array<i32>} : memref<16400xf32, #tpu.memory_space<vmem>>, vector<16xf32>,
        %masked_sort3A = arith.constant dense<true> : vector<16xi1>
        %masked_sort3A_215 = arith.constant -2147483648 : i32
        %masked_sort3A_216 = vector.broadcast %masked_sort3A_215 : i32 to vector<16xi32>
        %masked_sort3A_217 = arith.xori %get3A_210, %masked_sort3A_216 : vector<16xi32>
        %masked_sort3A_218, %masked_sort3A_219, %masked_sort3A_220 = tpu.sort %masked_sort3A_217, %get3A_214 masked %masked_sort3A : (vector<16xi32>, vector<16xf32>, vector<16xi1>) -> (vector<16xi1>, vector<16xi32>, vector<16xf32>)
        %masked_sort3A_221 = arith.xori %masked_sort3A_219, %masked_sort3A_216 : vector<16xi32>
        %swap3A_222 = arith.constant 0 : index
        %swap3A_223 = tpu.vector_load %arg17[%swap3A_222] {strides = array<i32>} : memref<16xi32, #tpu.memory_space<vmem>>, vector<16xi32>,
        tpu.vector_store %arg17[%swap3A_222], %masked_sort3A_221 {strides = array<i32>} : memref<16xi32, #tpu.memory_space<vmem>>, vector<16xi32>,
        %sub3A_224 = arith.constant 1 : i32
        %sub3A_225 = vector.broadcast %sub3A_224 : i32 to vector<16xi32>
        %sub3A_226 = arith.subi %iota3A, %sub3A_225 : vector<16xi32>
        %max3A = arith.constant 0 : i32
        %max3A_227 = vector.broadcast %max3A : i32 to vector<16xi32>
        %max3A_228 = arith.maxsi %sub3A_226, %max3A_227 : vector<16xi32>
        %gather3A = tpu.vector_load_idx %arg17[%max3A_228] : memref<16xi32, #tpu.memory_space<vmem>>[vector<16xi32>], vector<16xi32>,
        %add3A_229 = arith.constant 1 : i32
        %add3A_230 = vector.broadcast %add3A_229 : i32 to vector<16xi32>
        %add3A_231 = arith.addi %iota3A, %add3A_230 : vector<16xi32>
        %min3A = arith.constant 15 : i32
        %min3A_232 = vector.broadcast %min3A : i32 to vector<16xi32>
        %min3A_233 = arith.minsi %add3A_231, %min3A_232 : vector<16xi32>
        %gather3A_234 = tpu.vector_load_idx %arg17[%min3A_233] : memref<16xi32, #tpu.memory_space<vmem>>[vector<16xi32>], vector<16xi32>,
        %eq3A_235 = arith.constant 0 : i32
        %eq3A_236 = vector.broadcast %eq3A_235 : i32 to vector<16xi32>
        %eq3A_237 = arith.cmpi eq, %iota3A, %eq3A_236 : vector<16xi32>
        %ne3A_238 = arith.cmpi ne, %masked_sort3A_221, %gather3A : vector<16xi32>
        %or3A = arith.ori %eq3A_237, %ne3A_238 : vector<16xi1>
        %eq3A_239 = arith.constant 15 : i32
        %eq3A_240 = vector.broadcast %eq3A_239 : i32 to vector<16xi32>
        %eq3A_241 = arith.cmpi eq, %iota3A, %eq3A_240 : vector<16xi32>
        %ne3A_242 = arith.cmpi ne, %masked_sort3A_221, %gather3A_234 : vector<16xi32>
        %or3A_243 = arith.ori %eq3A_241, %ne3A_242 : vector<16xi1>
        %jit3A_244 = arith.constant 0 : i32
        %broadcast_in_dim3A_245 = vector.broadcast %jit3A_244 : i32 to vector<16xi32>
        %select_n3A_246 = arith.select %or3A, %iota3A, %broadcast_in_dim3A_245 : vector<16xi1>, vector<16xi32>
        %broadcast_in_dim3A_247 = arith.constant true
        %broadcast_in_dim3A_248 = vector.broadcast %broadcast_in_dim3A_247 : i1 to vector<16xi1>
        %masked_cummax3A = arith.constant -2147483648 : i32
        %masked_cummax3A_249 = vector.broadcast %masked_cummax3A : i32 to vector<16xi32>
        %masked_cummax3A_250 = arith.xori %select_n3A_246, %masked_cummax3A_249 : vector<16xi32>
        %masked_cummax3A_251 = tpu.scan <max>, %masked_cummax3A_250 masked %broadcast_in_dim3A_248 : vector<16xi32>, vector<16xi1> -> vector<16xi32>
        %masked_cummax3A_252 = arith.xori %masked_cummax3A_251, %masked_cummax3A_249 : vector<16xi32>
        %sub3A_253 = arith.subi %iota3A, %masked_cummax3A_252 : vector<16xi32>
        %gather3A_254 = tpu.vector_load_idx %arg12[%masked_sort3A_221] : memref<2048xi32, #tpu.memory_space<vmem>>[vector<16xi32>], vector<16xi32>,
        %add3A_255 = arith.addi %gather3A_254, %sub3A_253 : vector<16xi32>
        tpu.vector_store_idx %arg13[%add3A_255], %masked_sort3A_220 : memref<16384xf32, #tpu.memory_space<vmem>>[vector<16xi32>], vector<16xf32>,
        %add3A_256 = arith.constant 1 : i32
        %add3A_257 = vector.broadcast %add3A_256 : i32 to vector<16xi32>
        %add3A_258 = arith.addi %add3A_255, %add3A_257 : vector<16xi32>
        tpu.vector_store_idx %arg12[%masked_sort3A_221], %add3A_258 masked %or3A_243 : memref<2048xi32, #tpu.memory_space<vmem>>[vector<16xi32>], vector<16xi32>, vector<16xi1>
      }
      %mul3A_136 = arith.constant 16 : i32
      %mul3A_137 = arith.muli %select_n3A_126, %mul3A_136 : i32
      %get3A = arith.index_cast %mul3A_137 : i32 to index
      %get3A_138 = tpu.vector_load %arg15[%get3A] {strides = array<i32>} : memref<16400xi32, #tpu.memory_space<vmem>>, vector<16xi32>,
      %mul3A_139 = arith.constant 16 : i32
      %mul3A_140 = arith.muli %select_n3A_126, %mul3A_139 : i32
      %get3A_141 = arith.index_cast %mul3A_140 : i32 to index
      %get3A_142 = tpu.vector_load %arg14[%get3A_141] {strides = array<i32>} : memref<16400xf32, #tpu.memory_space<vmem>>, vector<16xf32>,
      %scan3A_143 = arith.constant 0 : i32
      %scan3A_144 = arith.constant 0 : i32
      %scan3A_145 = arith.constant 16 : i32
      %scan3A_146 = arith.addi %scan3A_144, %scan3A_145 : i32
      %scan3A_147 = arith.constant 1 : i32
      scf.for %scan3A_206 = %scan3A_144 to %scan3A_146 step %scan3A_147  : i32 {
        %eq3A_207 = vector.broadcast %scan3A_206 : i32 to vector<16xi32>
        %eq3A_208 = arith.cmpi eq, %iota3A, %eq3A_207 : vector<16xi32>
        %mul3A_209 = arith.constant 16 : i32
        %mul3A_210 = arith.muli %select_n3A_126, %mul3A_209 : i32
        %add3A_211 = arith.addi %mul3A_210, %scan3A_206 : i32
        %lt3A_212 = arith.cmpi slt, %add3A_211, %reduce_max3A_89 : i32
        %and3A_213 = vector.broadcast %lt3A_212 : i1 to vector<16xi1>
        %and3A_214 = arith.andi %eq3A_208, %and3A_213 : vector<16xi1>
        %jit3A_215 = arith.constant 0 : i32
        %broadcast_in_dim3A_216 = vector.broadcast %jit3A_215 : i32 to vector<16xi32>
        %select_n3A_217 = arith.select %and3A_214, %get3A_138, %broadcast_in_dim3A_216 : vector<16xi1>, vector<16xi32>
        %gather3A = tpu.vector_load_idx %arg12[%select_n3A_217] : memref<2048xi32, #tpu.memory_space<vmem>>[vector<16xi32>], vector<16xi32>,
        tpu.vector_store_idx %arg13[%gather3A], %get3A_142 masked %and3A_214 : memref<16384xf32, #tpu.memory_space<vmem>>[vector<16xi32>], vector<16xf32>, vector<16xi1>
        %add3A_218 = arith.constant 1 : i32
        %add3A_219 = vector.broadcast %add3A_218 : i32 to vector<16xi32>
        %add3A_220 = arith.addi %gather3A, %add3A_219 : vector<16xi32>
        tpu.vector_store_idx %arg12[%get3A_138], %add3A_220 masked %and3A_214 : memref<2048xi32, #tpu.memory_space<vmem>>[vector<16xi32>], vector<16xi32>, vector<16xi1>
      }
      %scan3A_148 = arith.constant 16 : i32
      %sub3A_149 = arith.constant 1024 : i32
      %sub3A_150 = arith.subi %sub3A_149, %select_n3A_33 : i32
      %add3A_151 = arith.constant 2 : i32
      %add3A_152 = arith.addi %sub3A_150, %add3A_151 : i32
      %jit3A_153 = arith.constant 3 : i32
      %div3A_154 = arith.divsi %add3A_152, %jit3A_153 : i32
      %sign3A_155 = arith.constant 0 : i32
      %sign3A_156 = arith.cmpi sgt, %add3A_152, %sign3A_155 : i32
      %sign3A_157 = arith.extui %sign3A_156 : i1 to i32
      %sign3A_158 = arith.constant 0 : i32
      %sign3A_159 = arith.cmpi slt, %add3A_152, %sign3A_158 : i32
      %sign3A_160 = arith.extui %sign3A_159 : i1 to i32
      %sign3A_161 = arith.subi %sign3A_157, %sign3A_160 : i32
      %sign3A_162 = arith.constant 0 : i32
      %sign3A_163 = arith.cmpi sgt, %jit3A_153, %sign3A_162 : i32
      %sign3A_164 = arith.extui %sign3A_163 : i1 to i32
      %sign3A_165 = arith.constant 0 : i32
      %sign3A_166 = arith.cmpi slt, %jit3A_153, %sign3A_165 : i32
      %sign3A_167 = arith.extui %sign3A_166 : i1 to i32
      %sign3A_168 = arith.subi %sign3A_164, %sign3A_167 : i32
      %ne3A_169 = arith.cmpi ne, %sign3A_161, %sign3A_168 : i32
      %rem3A_170 = arith.remsi %add3A_152, %jit3A_153 : i32
      %ne3A_171 = arith.constant 0 : i32
      %ne3A_172 = arith.cmpi ne, %rem3A_170, %ne3A_171 : i32
      %and3A_173 = arith.andi %ne3A_169, %ne3A_172 : i1
      %sub3A_174 = arith.constant 1 : i32
      %sub3A_175 = arith.subi %div3A_154, %sub3A_174 : i32
      %select_n3A_176 = arith.select %and3A_173, %sub3A_175, %div3A_154 : i32
      %while3A_177 = arith.constant 0 : i32
      %while3A_178 = arith.subi %select_n3A_176, %while3A_177 : i32
      %while3A_179 = arith.addi %while3A_177, %while3A_178 : i32
      %while3A_180 = arith.constant 1 : i32
      %while3A_181 = arith.divsi %while3A_178, %while3A_180 : i32
      %while3A_182 = arith.muli %while3A_181, %while3A_180 : i32
      %while3A_183 = arith.addi %while3A_177, %while3A_182 : i32
      %while3A_184 = arith.constant 1 : i32
      %while3A_185 = scf.for %while3A_206 = %while3A_177 to %while3A_183 step %while3A_184 iter_args(%while3A_207 = %broadcast_in_dim3A_34) -> (vector<16xi32>)  : i32 {
        %mul3A_208 = arith.constant 3 : i32
        %mul3A_209 = arith.muli %mul3A_208, %while3A_206 : i32
        %add3A_210 = arith.addi %select_n3A_33, %mul3A_209 : i32
        %mul3A_211 = arith.constant 16 : i32
        %mul3A_212 = arith.muli %add3A_210, %mul3A_211 : i32
        %get3A_213 = arith.index_cast %mul3A_212 : i32 to index
        %get3A_214 = tpu.vector_load %arg5[%get3A_213] {strides = array<i32>} : memref<16384xf32, #tpu.memory_space<vmem>>, vector<16xf32>,
        %sub3A_215 = arith.constant -8.000000e+00 : f32
        %sub3A_216 = vector.broadcast %sub3A_215 : f32 to vector<16xf32>
        %sub3A_217 = arith.subf %get3A_214, %sub3A_216 : vector<16xf32>
        %mul3A_218 = arith.constant 2.560000e+02 : f32
        %mul3A_219 = vector.broadcast %mul3A_218 : f32 to vector<16xf32>
        %mul3A_220 = arith.mulf %sub3A_217, %mul3A_219 : vector<16xf32>
        %convert_element_type3A_221 = arith.fptosi %mul3A_220 : vector<16xf32> to vector<16xi32>
        %jit3A_222 = arith.constant 0 : i32
        %jit3A_223 = arith.constant 2047 : i32
        %max3A = vector.broadcast %jit3A_222 : i32 to vector<16xi32>
        %max3A_224 = arith.maxsi %max3A, %convert_element_type3A_221 : vector<16xi32>
        %min3A = vector.broadcast %jit3A_223 : i32 to vector<16xi32>
        %min3A_225 = arith.minsi %min3A, %max3A_224 : vector<16xi32>
        %gather3A = tpu.vector_load_idx %arg11[%min3A_225] : memref<2048xi32, #tpu.memory_space<vmem>>[vector<16xi32>], vector<16xi32>,
        %gather3A_226 = tpu.vector_load_idx %arg10[%min3A_225] : memref<2048xi32, #tpu.memory_space<vmem>>[vector<16xi32>], vector<16xi32>,
        %reduce_max3A_227 = arith.constant true
        %reduce_max3A_228 = vector.broadcast %reduce_max3A_227 : i1 to vector<16xi1>
        %reduce_max3A_229 = arith.constant -2147483648 : i32
        %reduce_max3A_230 = vector.broadcast %reduce_max3A_229 : i32 to vector<16xi32>
        %reduce_max3A_231 = arith.xori %gather3A_226, %reduce_max3A_230 : vector<16xi32>
        %reduce_max3A_232 = tpu.scan <max>, %reduce_max3A_231 masked %reduce_max3A_228 : vector<16xi32>, vector<16xi1> -> vector<16xi32>
        %reduce_max3A_233 = arith.xori %reduce_max3A_232, %reduce_max3A_230 : vector<16xi32>
        %reduce_max3A_234 = vector.extract %reduce_max3A_233[15] : i32 from vector<16xi32>
        %add3A_235 = arith.constant 3 : i32
        %add3A_236 = arith.addi %reduce_max3A_234, %add3A_235 : i32
        %jit3A_237 = arith.constant 4 : i32
        %div3A_238 = arith.divsi %add3A_236, %jit3A_237 : i32
        %sign3A_239 = arith.constant 0 : i32
        %sign3A_240 = arith.cmpi sgt, %add3A_236, %sign3A_239 : i32
        %sign3A_241 = arith.extui %sign3A_240 : i1 to i32
        %sign3A_242 = arith.constant 0 : i32
        %sign3A_243 = arith.cmpi slt, %add3A_236, %sign3A_242 : i32
        %sign3A_244 = arith.extui %sign3A_243 : i1 to i32
        %sign3A_245 = arith.subi %sign3A_241, %sign3A_244 : i32
        %sign3A_246 = arith.constant 0 : i32
        %sign3A_247 = arith.cmpi sgt, %jit3A_237, %sign3A_246 : i32
        %sign3A_248 = arith.extui %sign3A_247 : i1 to i32
        %sign3A_249 = arith.constant 0 : i32
        %sign3A_250 = arith.cmpi slt, %jit3A_237, %sign3A_249 : i32
        %sign3A_251 = arith.extui %sign3A_250 : i1 to i32
        %sign3A_252 = arith.subi %sign3A_248, %sign3A_251 : i32
        %ne3A_253 = arith.cmpi ne, %sign3A_245, %sign3A_252 : i32
        %rem3A_254 = arith.remsi %add3A_236, %jit3A_237 : i32
        %ne3A_255 = arith.constant 0 : i32
        %ne3A_256 = arith.cmpi ne, %rem3A_254, %ne3A_255 : i32
        %and3A_257 = arith.andi %ne3A_253, %ne3A_256 : i1
        %sub3A_258 = arith.constant 1 : i32
        %sub3A_259 = arith.subi %div3A_238, %sub3A_258 : i32
        %select_n3A_260 = arith.select %and3A_257, %sub3A_259, %div3A_238 : i32
        %while3A_261 = arith.constant 0 : i32
        %while3A_262 = arith.subi %select_n3A_260, %while3A_261 : i32
        %while3A_263 = arith.addi %while3A_261, %while3A_262 : i32
        %while3A_264 = arith.constant 1 : i32
        %while3A_265 = arith.divsi %while3A_262, %while3A_264 : i32
        %while3A_266 = arith.muli %while3A_265, %while3A_264 : i32
        %while3A_267 = arith.addi %while3A_261, %while3A_266 : i32
        %while3A_268 = arith.constant 1 : i32
        %while3A_269 = scf.for %while3A_272 = %while3A_261 to %while3A_267 step %while3A_268 iter_args(%while3A_273 = %while3A_207) -> (vector<16xi32>)  : i32 {
          %mul3A_274 = arith.constant 4 : i32
          %mul3A_275 = arith.muli %while3A_272, %mul3A_274 : i32
          %add3A_276 = arith.constant 0 : i32
          %add3A_277 = arith.addi %mul3A_275, %add3A_276 : i32
          %lt3A_278 = vector.broadcast %add3A_277 : i32 to vector<16xi32>
          %lt3A_279 = arith.cmpi slt, %lt3A_278, %gather3A_226 : vector<16xi32>
          %add3A_280 = vector.broadcast %add3A_277 : i32 to vector<16xi32>
          %add3A_281 = arith.addi %gather3A, %add3A_280 : vector<16xi32>
          %min3A_282 = arith.constant 16383 : i32
          %min3A_283 = vector.broadcast %min3A_282 : i32 to vector<16xi32>
          %min3A_284 = arith.minsi %add3A_281, %min3A_283 : vector<16xi32>
          %gather3A_285 = tpu.vector_load_idx %arg13[%min3A_284] masked %lt3A_279 : memref<16384xf32, #tpu.memory_space<vmem>>[vector<16xi32>], vector<16xf32>, vector<16xi1>
          %gt3A = arith.cmpf ogt, %gather3A_285, %get3A_214 : vector<16xf32>
          %and3A_286 = arith.andi %lt3A_279, %gt3A : vector<16xi1>
          %jit3A_287 = arith.constant 1 : i32
          %jit3A_288 = arith.constant 0 : i32
          %broadcast_in_dim3A_289 = vector.broadcast %jit3A_287 : i32 to vector<16xi32>
          %broadcast_in_dim3A_290 = vector.broadcast %jit3A_288 : i32 to vector<16xi32>
          %select_n3A_291 = arith.select %and3A_286, %broadcast_in_dim3A_289, %broadcast_in_dim3A_290 : vector<16xi1>, vector<16xi32>
          %add3A_292 = arith.addi %while3A_273, %select_n3A_291 : vector<16xi32>
          %mul3A_293 = arith.constant 4 : i32
          %mul3A_294 = arith.muli %while3A_272, %mul3A_293 : i32
          %add3A_295 = arith.constant 1 : i32
          %add3A_296 = arith.addi %mul3A_294, %add3A_295 : i32
          %lt3A_297 = vector.broadcast %add3A_296 : i32 to vector<16xi32>
          %lt3A_298 = arith.cmpi slt, %lt3A_297, %gather3A_226 : vector<16xi32>
          %add3A_299 = vector.broadcast %add3A_296 : i32 to vector<16xi32>
          %add3A_300 = arith.addi %gather3A, %add3A_299 : vector<16xi32>
          %min3A_301 = arith.constant 16383 : i32
          %min3A_302 = vector.broadcast %min3A_301 : i32 to vector<16xi32>
          %min3A_303 = arith.minsi %add3A_300, %min3A_302 : vector<16xi32>
          %gather3A_304 = tpu.vector_load_idx %arg13[%min3A_303] masked %lt3A_298 : memref<16384xf32, #tpu.memory_space<vmem>>[vector<16xi32>], vector<16xf32>, vector<16xi1>
          %gt3A_305 = arith.cmpf ogt, %gather3A_304, %get3A_214 : vector<16xf32>
          %and3A_306 = arith.andi %lt3A_298, %gt3A_305 : vector<16xi1>
          %jit3A_307 = arith.constant 1 : i32
          %jit3A_308 = arith.constant 0 : i32
          %broadcast_in_dim3A_309 = vector.broadcast %jit3A_307 : i32 to vector<16xi32>
          %broadcast_in_dim3A_310 = vector.broadcast %jit3A_308 : i32 to vector<16xi32>
          %select_n3A_311 = arith.select %and3A_306, %broadcast_in_dim3A_309, %broadcast_in_dim3A_310 : vector<16xi1>, vector<16xi32>
          %add3A_312 = arith.addi %add3A_292, %select_n3A_311 : vector<16xi32>
          %mul3A_313 = arith.constant 4 : i32
          %mul3A_314 = arith.muli %while3A_272, %mul3A_313 : i32
          %add3A_315 = arith.constant 2 : i32
          %add3A_316 = arith.addi %mul3A_314, %add3A_315 : i32
          %lt3A_317 = vector.broadcast %add3A_316 : i32 to vector<16xi32>
          %lt3A_318 = arith.cmpi slt, %lt3A_317, %gather3A_226 : vector<16xi32>
          %add3A_319 = vector.broadcast %add3A_316 : i32 to vector<16xi32>
          %add3A_320 = arith.addi %gather3A, %add3A_319 : vector<16xi32>
          %min3A_321 = arith.constant 16383 : i32
          %min3A_322 = vector.broadcast %min3A_321 : i32 to vector<16xi32>
          %min3A_323 = arith.minsi %add3A_320, %min3A_322 : vector<16xi32>
          %gather3A_324 = tpu.vector_load_idx %arg13[%min3A_323] masked %lt3A_318 : memref<16384xf32, #tpu.memory_space<vmem>>[vector<16xi32>], vector<16xf32>, vector<16xi1>
          %gt3A_325 = arith.cmpf ogt, %gather3A_324, %get3A_214 : vector<16xf32>
          %and3A_326 = arith.andi %lt3A_318, %gt3A_325 : vector<16xi1>
          %jit3A_327 = arith.constant 1 : i32
          %jit3A_328 = arith.constant 0 : i32
          %broadcast_in_dim3A_329 = vector.broadcast %jit3A_327 : i32 to vector<16xi32>
          %broadcast_in_dim3A_330 = vector.broadcast %jit3A_328 : i32 to vector<16xi32>
          %select_n3A_331 = arith.select %and3A_326, %broadcast_in_dim3A_329, %broadcast_in_dim3A_330 : vector<16xi1>, vector<16xi32>
          %add3A_332 = arith.addi %add3A_312, %select_n3A_331 : vector<16xi32>
          %mul3A_333 = arith.constant 4 : i32
          %mul3A_334 = arith.muli %while3A_272, %mul3A_333 : i32
          %add3A_335 = arith.constant 3 : i32
          %add3A_336 = arith.addi %mul3A_334, %add3A_335 : i32
          %lt3A_337 = vector.broadcast %add3A_336 : i32 to vector<16xi32>
          %lt3A_338 = arith.cmpi slt, %lt3A_337, %gather3A_226 : vector<16xi32>
          %add3A_339 = vector.broadcast %add3A_336 : i32 to vector<16xi32>
          %add3A_340 = arith.addi %gather3A, %add3A_339 : vector<16xi32>
          %min3A_341 = arith.constant 16383 : i32
          %min3A_342 = vector.broadcast %min3A_341 : i32 to vector<16xi32>
          %min3A_343 = arith.minsi %add3A_340, %min3A_342 : vector<16xi32>
          %gather3A_344 = tpu.vector_load_idx %arg13[%min3A_343] masked %lt3A_338 : memref<16384xf32, #tpu.memory_space<vmem>>[vector<16xi32>], vector<16xf32>, vector<16xi1>
          %gt3A_345 = arith.cmpf ogt, %gather3A_344, %get3A_214 : vector<16xf32>
          %and3A_346 = arith.andi %lt3A_338, %gt3A_345 : vector<16xi1>
          %jit3A_347 = arith.constant 1 : i32
          %jit3A_348 = arith.constant 0 : i32
          %broadcast_in_dim3A_349 = vector.broadcast %jit3A_347 : i32 to vector<16xi32>
          %broadcast_in_dim3A_350 = vector.broadcast %jit3A_348 : i32 to vector<16xi32>
          %select_n3A_351 = arith.select %and3A_346, %broadcast_in_dim3A_349, %broadcast_in_dim3A_350 : vector<16xi1>, vector<16xi32>
          %add3A_352 = arith.addi %add3A_332, %select_n3A_351 : vector<16xi32>
          scf.yield %add3A_352 : vector<16xi32>
        }
        %while3A_270 = arith.constant 1 : i32
        %while3A_271 = scf.for %while3A_272 = %while3A_267 to %while3A_263 step %while3A_270 iter_args(%while3A_273 = %while3A_269) -> (vector<16xi32>)  : i32 {
          %mul3A_274 = arith.constant 4 : i32
          %mul3A_275 = arith.muli %while3A_272, %mul3A_274 : i32
          %add3A_276 = arith.constant 0 : i32
          %add3A_277 = arith.addi %mul3A_275, %add3A_276 : i32
          %lt3A_278 = vector.broadcast %add3A_277 : i32 to vector<16xi32>
          %lt3A_279 = arith.cmpi slt, %lt3A_278, %gather3A_226 : vector<16xi32>
          %add3A_280 = vector.broadcast %add3A_277 : i32 to vector<16xi32>
          %add3A_281 = arith.addi %gather3A, %add3A_280 : vector<16xi32>
          %min3A_282 = arith.constant 16383 : i32
          %min3A_283 = vector.broadcast %min3A_282 : i32 to vector<16xi32>
          %min3A_284 = arith.minsi %add3A_281, %min3A_283 : vector<16xi32>
          %gather3A_285 = tpu.vector_load_idx %arg13[%min3A_284] masked %lt3A_279 : memref<16384xf32, #tpu.memory_space<vmem>>[vector<16xi32>], vector<16xf32>, vector<16xi1>
          %gt3A = arith.cmpf ogt, %gather3A_285, %get3A_214 : vector<16xf32>
          %and3A_286 = arith.andi %lt3A_279, %gt3A : vector<16xi1>
          %jit3A_287 = arith.constant 1 : i32
          %jit3A_288 = arith.constant 0 : i32
          %broadcast_in_dim3A_289 = vector.broadcast %jit3A_287 : i32 to vector<16xi32>
          %broadcast_in_dim3A_290 = vector.broadcast %jit3A_288 : i32 to vector<16xi32>
          %select_n3A_291 = arith.select %and3A_286, %broadcast_in_dim3A_289, %broadcast_in_dim3A_290 : vector<16xi1>, vector<16xi32>
          %add3A_292 = arith.addi %while3A_273, %select_n3A_291 : vector<16xi32>
          %mul3A_293 = arith.constant 4 : i32
          %mul3A_294 = arith.muli %while3A_272, %mul3A_293 : i32
          %add3A_295 = arith.constant 1 : i32
          %add3A_296 = arith.addi %mul3A_294, %add3A_295 : i32
          %lt3A_297 = vector.broadcast %add3A_296 : i32 to vector<16xi32>
          %lt3A_298 = arith.cmpi slt, %lt3A_297, %gather3A_226 : vector<16xi32>
          %add3A_299 = vector.broadcast %add3A_296 : i32 to vector<16xi32>
          %add3A_300 = arith.addi %gather3A, %add3A_299 : vector<16xi32>
          %min3A_301 = arith.constant 16383 : i32
          %min3A_302 = vector.broadcast %min3A_301 : i32 to vector<16xi32>
          %min3A_303 = arith.minsi %add3A_300, %min3A_302 : vector<16xi32>
          %gather3A_304 = tpu.vector_load_idx %arg13[%min3A_303] masked %lt3A_298 : memref<16384xf32, #tpu.memory_space<vmem>>[vector<16xi32>], vector<16xf32>, vector<16xi1>
          %gt3A_305 = arith.cmpf ogt, %gather3A_304, %get3A_214 : vector<16xf32>
          %and3A_306 = arith.andi %lt3A_298, %gt3A_305 : vector<16xi1>
          %jit3A_307 = arith.constant 1 : i32
          %jit3A_308 = arith.constant 0 : i32
          %broadcast_in_dim3A_309 = vector.broadcast %jit3A_307 : i32 to vector<16xi32>
          %broadcast_in_dim3A_310 = vector.broadcast %jit3A_308 : i32 to vector<16xi32>
          %select_n3A_311 = arith.select %and3A_306, %broadcast_in_dim3A_309, %broadcast_in_dim3A_310 : vector<16xi1>, vector<16xi32>
          %add3A_312 = arith.addi %add3A_292, %select_n3A_311 : vector<16xi32>
          %mul3A_313 = arith.constant 4 : i32
          %mul3A_314 = arith.muli %while3A_272, %mul3A_313 : i32
          %add3A_315 = arith.constant 2 : i32
          %add3A_316 = arith.addi %mul3A_314, %add3A_315 : i32
          %lt3A_317 = vector.broadcast %add3A_316 : i32 to vector<16xi32>
          %lt3A_318 = arith.cmpi slt, %lt3A_317, %gather3A_226 : vector<16xi32>
          %add3A_319 = vector.broadcast %add3A_316 : i32 to vector<16xi32>
          %add3A_320 = arith.addi %gather3A, %add3A_319 : vector<16xi32>
          %min3A_321 = arith.constant 16383 : i32
          %min3A_322 = vector.broadcast %min3A_321 : i32 to vector<16xi32>
          %min3A_323 = arith.minsi %add3A_320, %min3A_322 : vector<16xi32>
          %gather3A_324 = tpu.vector_load_idx %arg13[%min3A_323] masked %lt3A_318 : memref<16384xf32, #tpu.memory_space<vmem>>[vector<16xi32>], vector<16xf32>, vector<16xi1>
          %gt3A_325 = arith.cmpf ogt, %gather3A_324, %get3A_214 : vector<16xf32>
          %and3A_326 = arith.andi %lt3A_318, %gt3A_325 : vector<16xi1>
          %jit3A_327 = arith.constant 1 : i32
          %jit3A_328 = arith.constant 0 : i32
          %broadcast_in_dim3A_329 = vector.broadcast %jit3A_327 : i32 to vector<16xi32>
          %broadcast_in_dim3A_330 = vector.broadcast %jit3A_328 : i32 to vector<16xi32>
          %select_n3A_331 = arith.select %and3A_326, %broadcast_in_dim3A_329, %broadcast_in_dim3A_330 : vector<16xi1>, vector<16xi32>
          %add3A_332 = arith.addi %add3A_312, %select_n3A_331 : vector<16xi32>
          %mul3A_333 = arith.constant 4 : i32
          %mul3A_334 = arith.muli %while3A_272, %mul3A_333 : i32
          %add3A_335 = arith.constant 3 : i32
          %add3A_336 = arith.addi %mul3A_334, %add3A_335 : i32
          %lt3A_337 = vector.broadcast %add3A_336 : i32 to vector<16xi32>
          %lt3A_338 = arith.cmpi slt, %lt3A_337, %gather3A_226 : vector<16xi32>
          %add3A_339 = vector.broadcast %add3A_336 : i32 to vector<16xi32>
          %add3A_340 = arith.addi %gather3A, %add3A_339 : vector<16xi32>
          %min3A_341 = arith.constant 16383 : i32
          %min3A_342 = vector.broadcast %min3A_341 : i32 to vector<16xi32>
          %min3A_343 = arith.minsi %add3A_340, %min3A_342 : vector<16xi32>
          %gather3A_344 = tpu.vector_load_idx %arg13[%min3A_343] masked %lt3A_338 : memref<16384xf32, #tpu.memory_space<vmem>>[vector<16xi32>], vector<16xf32>, vector<16xi1>
          %gt3A_345 = arith.cmpf ogt, %gather3A_344, %get3A_214 : vector<16xf32>
          %and3A_346 = arith.andi %lt3A_338, %gt3A_345 : vector<16xi1>
          %jit3A_347 = arith.constant 1 : i32
          %jit3A_348 = arith.constant 0 : i32
          %broadcast_in_dim3A_349 = vector.broadcast %jit3A_347 : i32 to vector<16xi32>
          %broadcast_in_dim3A_350 = vector.broadcast %jit3A_348 : i32 to vector<16xi32>
          %select_n3A_351 = arith.select %and3A_346, %broadcast_in_dim3A_349, %broadcast_in_dim3A_350 : vector<16xi1>, vector<16xi32>
          %add3A_352 = arith.addi %add3A_332, %select_n3A_351 : vector<16xi32>
          scf.yield %add3A_352 : vector<16xi32>
        }
        scf.yield %while3A_271 : vector<16xi32>
      }
      %while3A_186 = arith.constant 1 : i32
      %while3A_187 = scf.for %while3A_206 = %while3A_183 to %while3A_179 step %while3A_186 iter_args(%while3A_207 = %while3A_185) -> (vector<16xi32>)  : i32 {
        %mul3A_208 = arith.constant 3 : i32
        %mul3A_209 = arith.muli %mul3A_208, %while3A_206 : i32
        %add3A_210 = arith.addi %select_n3A_33, %mul3A_209 : i32
        %mul3A_211 = arith.constant 16 : i32
        %mul3A_212 = arith.muli %add3A_210, %mul3A_211 : i32
        %get3A_213 = arith.index_cast %mul3A_212 : i32 to index
        %get3A_214 = tpu.vector_load %arg5[%get3A_213] {strides = array<i32>} : memref<16384xf32, #tpu.memory_space<vmem>>, vector<16xf32>,
        %sub3A_215 = arith.constant -8.000000e+00 : f32
        %sub3A_216 = vector.broadcast %sub3A_215 : f32 to vector<16xf32>
        %sub3A_217 = arith.subf %get3A_214, %sub3A_216 : vector<16xf32>
        %mul3A_218 = arith.constant 2.560000e+02 : f32
        %mul3A_219 = vector.broadcast %mul3A_218 : f32 to vector<16xf32>
        %mul3A_220 = arith.mulf %sub3A_217, %mul3A_219 : vector<16xf32>
        %convert_element_type3A_221 = arith.fptosi %mul3A_220 : vector<16xf32> to vector<16xi32>
        %jit3A_222 = arith.constant 0 : i32
        %jit3A_223 = arith.constant 2047 : i32
        %max3A = vector.broadcast %jit3A_222 : i32 to vector<16xi32>
        %max3A_224 = arith.maxsi %max3A, %convert_element_type3A_221 : vector<16xi32>
        %min3A = vector.broadcast %jit3A_223 : i32 to vector<16xi32>
        %min3A_225 = arith.minsi %min3A, %max3A_224 : vector<16xi32>
        %gather3A = tpu.vector_load_idx %arg11[%min3A_225] : memref<2048xi32, #tpu.memory_space<vmem>>[vector<16xi32>], vector<16xi32>,
        %gather3A_226 = tpu.vector_load_idx %arg10[%min3A_225] : memref<2048xi32, #tpu.memory_space<vmem>>[vector<16xi32>], vector<16xi32>,
        %reduce_max3A_227 = arith.constant true
        %reduce_max3A_228 = vector.broadcast %reduce_max3A_227 : i1 to vector<16xi1>
        %reduce_max3A_229 = arith.constant -2147483648 : i32
        %reduce_max3A_230 = vector.broadcast %reduce_max3A_229 : i32 to vector<16xi32>
        %reduce_max3A_231 = arith.xori %gather3A_226, %reduce_max3A_230 : vector<16xi32>
        %reduce_max3A_232 = tpu.scan <max>, %reduce_max3A_231 masked %reduce_max3A_228 : vector<16xi32>, vector<16xi1> -> vector<16xi32>
        %reduce_max3A_233 = arith.xori %reduce_max3A_232, %reduce_max3A_230 : vector<16xi32>
        %reduce_max3A_234 = vector.extract %reduce_max3A_233[15] : i32 from vector<16xi32>
        %add3A_235 = arith.constant 3 : i32
        %add3A_236 = arith.addi %reduce_max3A_234, %add3A_235 : i32
        %jit3A_237 = arith.constant 4 : i32
        %div3A_238 = arith.divsi %add3A_236, %jit3A_237 : i32
        %sign3A_239 = arith.constant 0 : i32
        %sign3A_240 = arith.cmpi sgt, %add3A_236, %sign3A_239 : i32
        %sign3A_241 = arith.extui %sign3A_240 : i1 to i32
        %sign3A_242 = arith.constant 0 : i32
        %sign3A_243 = arith.cmpi slt, %add3A_236, %sign3A_242 : i32
        %sign3A_244 = arith.extui %sign3A_243 : i1 to i32
        %sign3A_245 = arith.subi %sign3A_241, %sign3A_244 : i32
        %sign3A_246 = arith.constant 0 : i32
        %sign3A_247 = arith.cmpi sgt, %jit3A_237, %sign3A_246 : i32
        %sign3A_248 = arith.extui %sign3A_247 : i1 to i32
        %sign3A_249 = arith.constant 0 : i32
        %sign3A_250 = arith.cmpi slt, %jit3A_237, %sign3A_249 : i32
        %sign3A_251 = arith.extui %sign3A_250 : i1 to i32
        %sign3A_252 = arith.subi %sign3A_248, %sign3A_251 : i32
        %ne3A_253 = arith.cmpi ne, %sign3A_245, %sign3A_252 : i32
        %rem3A_254 = arith.remsi %add3A_236, %jit3A_237 : i32
        %ne3A_255 = arith.constant 0 : i32
        %ne3A_256 = arith.cmpi ne, %rem3A_254, %ne3A_255 : i32
        %and3A_257 = arith.andi %ne3A_253, %ne3A_256 : i1
        %sub3A_258 = arith.constant 1 : i32
        %sub3A_259 = arith.subi %div3A_238, %sub3A_258 : i32
        %select_n3A_260 = arith.select %and3A_257, %sub3A_259, %div3A_238 : i32
        %while3A_261 = arith.constant 0 : i32
        %while3A_262 = arith.subi %select_n3A_260, %while3A_261 : i32
        %while3A_263 = arith.addi %while3A_261, %while3A_262 : i32
        %while3A_264 = arith.constant 1 : i32
        %while3A_265 = arith.divsi %while3A_262, %while3A_264 : i32
        %while3A_266 = arith.muli %while3A_265, %while3A_264 : i32
        %while3A_267 = arith.addi %while3A_261, %while3A_266 : i32
        %while3A_268 = arith.constant 1 : i32
        %while3A_269 = scf.for %while3A_272 = %while3A_261 to %while3A_267 step %while3A_268 iter_args(%while3A_273 = %while3A_207) -> (vector<16xi32>)  : i32 {
          %mul3A_274 = arith.constant 4 : i32
          %mul3A_275 = arith.muli %while3A_272, %mul3A_274 : i32
          %add3A_276 = arith.constant 0 : i32
          %add3A_277 = arith.addi %mul3A_275, %add3A_276 : i32
          %lt3A_278 = vector.broadcast %add3A_277 : i32 to vector<16xi32>
          %lt3A_279 = arith.cmpi slt, %lt3A_278, %gather3A_226 : vector<16xi32>
          %add3A_280 = vector.broadcast %add3A_277 : i32 to vector<16xi32>
          %add3A_281 = arith.addi %gather3A, %add3A_280 : vector<16xi32>
          %min3A_282 = arith.constant 16383 : i32
          %min3A_283 = vector.broadcast %min3A_282 : i32 to vector<16xi32>
          %min3A_284 = arith.minsi %add3A_281, %min3A_283 : vector<16xi32>
          %gather3A_285 = tpu.vector_load_idx %arg13[%min3A_284] masked %lt3A_279 : memref<16384xf32, #tpu.memory_space<vmem>>[vector<16xi32>], vector<16xf32>, vector<16xi1>
          %gt3A = arith.cmpf ogt, %gather3A_285, %get3A_214 : vector<16xf32>
          %and3A_286 = arith.andi %lt3A_279, %gt3A : vector<16xi1>
          %jit3A_287 = arith.constant 1 : i32
          %jit3A_288 = arith.constant 0 : i32
          %broadcast_in_dim3A_289 = vector.broadcast %jit3A_287 : i32 to vector<16xi32>
          %broadcast_in_dim3A_290 = vector.broadcast %jit3A_288 : i32 to vector<16xi32>
          %select_n3A_291 = arith.select %and3A_286, %broadcast_in_dim3A_289, %broadcast_in_dim3A_290 : vector<16xi1>, vector<16xi32>
          %add3A_292 = arith.addi %while3A_273, %select_n3A_291 : vector<16xi32>
          %mul3A_293 = arith.constant 4 : i32
          %mul3A_294 = arith.muli %while3A_272, %mul3A_293 : i32
          %add3A_295 = arith.constant 1 : i32
          %add3A_296 = arith.addi %mul3A_294, %add3A_295 : i32
          %lt3A_297 = vector.broadcast %add3A_296 : i32 to vector<16xi32>
          %lt3A_298 = arith.cmpi slt, %lt3A_297, %gather3A_226 : vector<16xi32>
          %add3A_299 = vector.broadcast %add3A_296 : i32 to vector<16xi32>
          %add3A_300 = arith.addi %gather3A, %add3A_299 : vector<16xi32>
          %min3A_301 = arith.constant 16383 : i32
          %min3A_302 = vector.broadcast %min3A_301 : i32 to vector<16xi32>
          %min3A_303 = arith.minsi %add3A_300, %min3A_302 : vector<16xi32>
          %gather3A_304 = tpu.vector_load_idx %arg13[%min3A_303] masked %lt3A_298 : memref<16384xf32, #tpu.memory_space<vmem>>[vector<16xi32>], vector<16xf32>, vector<16xi1>
          %gt3A_305 = arith.cmpf ogt, %gather3A_304, %get3A_214 : vector<16xf32>
          %and3A_306 = arith.andi %lt3A_298, %gt3A_305 : vector<16xi1>
          %jit3A_307 = arith.constant 1 : i32
          %jit3A_308 = arith.constant 0 : i32
          %broadcast_in_dim3A_309 = vector.broadcast %jit3A_307 : i32 to vector<16xi32>
          %broadcast_in_dim3A_310 = vector.broadcast %jit3A_308 : i32 to vector<16xi32>
          %select_n3A_311 = arith.select %and3A_306, %broadcast_in_dim3A_309, %broadcast_in_dim3A_310 : vector<16xi1>, vector<16xi32>
          %add3A_312 = arith.addi %add3A_292, %select_n3A_311 : vector<16xi32>
          %mul3A_313 = arith.constant 4 : i32
          %mul3A_314 = arith.muli %while3A_272, %mul3A_313 : i32
          %add3A_315 = arith.constant 2 : i32
          %add3A_316 = arith.addi %mul3A_314, %add3A_315 : i32
          %lt3A_317 = vector.broadcast %add3A_316 : i32 to vector<16xi32>
          %lt3A_318 = arith.cmpi slt, %lt3A_317, %gather3A_226 : vector<16xi32>
          %add3A_319 = vector.broadcast %add3A_316 : i32 to vector<16xi32>
          %add3A_320 = arith.addi %gather3A, %add3A_319 : vector<16xi32>
          %min3A_321 = arith.constant 16383 : i32
          %min3A_322 = vector.broadcast %min3A_321 : i32 to vector<16xi32>
          %min3A_323 = arith.minsi %add3A_320, %min3A_322 : vector<16xi32>
          %gather3A_324 = tpu.vector_load_idx %arg13[%min3A_323] masked %lt3A_318 : memref<16384xf32, #tpu.memory_space<vmem>>[vector<16xi32>], vector<16xf32>, vector<16xi1>
          %gt3A_325 = arith.cmpf ogt, %gather3A_324, %get3A_214 : vector<16xf32>
          %and3A_326 = arith.andi %lt3A_318, %gt3A_325 : vector<16xi1>
          %jit3A_327 = arith.constant 1 : i32
          %jit3A_328 = arith.constant 0 : i32
          %broadcast_in_dim3A_329 = vector.broadcast %jit3A_327 : i32 to vector<16xi32>
          %broadcast_in_dim3A_330 = vector.broadcast %jit3A_328 : i32 to vector<16xi32>
          %select_n3A_331 = arith.select %and3A_326, %broadcast_in_dim3A_329, %broadcast_in_dim3A_330 : vector<16xi1>, vector<16xi32>
          %add3A_332 = arith.addi %add3A_312, %select_n3A_331 : vector<16xi32>
          %mul3A_333 = arith.constant 4 : i32
          %mul3A_334 = arith.muli %while3A_272, %mul3A_333 : i32
          %add3A_335 = arith.constant 3 : i32
          %add3A_336 = arith.addi %mul3A_334, %add3A_335 : i32
          %lt3A_337 = vector.broadcast %add3A_336 : i32 to vector<16xi32>
          %lt3A_338 = arith.cmpi slt, %lt3A_337, %gather3A_226 : vector<16xi32>
          %add3A_339 = vector.broadcast %add3A_336 : i32 to vector<16xi32>
          %add3A_340 = arith.addi %gather3A, %add3A_339 : vector<16xi32>
          %min3A_341 = arith.constant 16383 : i32
          %min3A_342 = vector.broadcast %min3A_341 : i32 to vector<16xi32>
          %min3A_343 = arith.minsi %add3A_340, %min3A_342 : vector<16xi32>
          %gather3A_344 = tpu.vector_load_idx %arg13[%min3A_343] masked %lt3A_338 : memref<16384xf32, #tpu.memory_space<vmem>>[vector<16xi32>], vector<16xf32>, vector<16xi1>
          %gt3A_345 = arith.cmpf ogt, %gather3A_344, %get3A_214 : vector<16xf32>
          %and3A_346 = arith.andi %lt3A_338, %gt3A_345 : vector<16xi1>
          %jit3A_347 = arith.constant 1 : i32
          %jit3A_348 = arith.constant 0 : i32
          %broadcast_in_dim3A_349 = vector.broadcast %jit3A_347 : i32 to vector<16xi32>
          %broadcast_in_dim3A_350 = vector.broadcast %jit3A_348 : i32 to vector<16xi32>
          %select_n3A_351 = arith.select %and3A_346, %broadcast_in_dim3A_349, %broadcast_in_dim3A_350 : vector<16xi1>, vector<16xi32>
          %add3A_352 = arith.addi %add3A_332, %select_n3A_351 : vector<16xi32>
          scf.yield %add3A_352 : vector<16xi32>
        }
        %while3A_270 = arith.constant 1 : i32
        %while3A_271 = scf.for %while3A_272 = %while3A_267 to %while3A_263 step %while3A_270 iter_args(%while3A_273 = %while3A_269) -> (vector<16xi32>)  : i32 {
          %mul3A_274 = arith.constant 4 : i32
          %mul3A_275 = arith.muli %while3A_272, %mul3A_274 : i32
          %add3A_276 = arith.constant 0 : i32
          %add3A_277 = arith.addi %mul3A_275, %add3A_276 : i32
          %lt3A_278 = vector.broadcast %add3A_277 : i32 to vector<16xi32>
          %lt3A_279 = arith.cmpi slt, %lt3A_278, %gather3A_226 : vector<16xi32>
          %add3A_280 = vector.broadcast %add3A_277 : i32 to vector<16xi32>
          %add3A_281 = arith.addi %gather3A, %add3A_280 : vector<16xi32>
          %min3A_282 = arith.constant 16383 : i32
          %min3A_283 = vector.broadcast %min3A_282 : i32 to vector<16xi32>
          %min3A_284 = arith.minsi %add3A_281, %min3A_283 : vector<16xi32>
          %gather3A_285 = tpu.vector_load_idx %arg13[%min3A_284] masked %lt3A_279 : memref<16384xf32, #tpu.memory_space<vmem>>[vector<16xi32>], vector<16xf32>, vector<16xi1>
          %gt3A = arith.cmpf ogt, %gather3A_285, %get3A_214 : vector<16xf32>
          %and3A_286 = arith.andi %lt3A_279, %gt3A : vector<16xi1>
          %jit3A_287 = arith.constant 1 : i32
          %jit3A_288 = arith.constant 0 : i32
          %broadcast_in_dim3A_289 = vector.broadcast %jit3A_287 : i32 to vector<16xi32>
          %broadcast_in_dim3A_290 = vector.broadcast %jit3A_288 : i32 to vector<16xi32>
          %select_n3A_291 = arith.select %and3A_286, %broadcast_in_dim3A_289, %broadcast_in_dim3A_290 : vector<16xi1>, vector<16xi32>
          %add3A_292 = arith.addi %while3A_273, %select_n3A_291 : vector<16xi32>
          %mul3A_293 = arith.constant 4 : i32
          %mul3A_294 = arith.muli %while3A_272, %mul3A_293 : i32
          %add3A_295 = arith.constant 1 : i32
          %add3A_296 = arith.addi %mul3A_294, %add3A_295 : i32
          %lt3A_297 = vector.broadcast %add3A_296 : i32 to vector<16xi32>
          %lt3A_298 = arith.cmpi slt, %lt3A_297, %gather3A_226 : vector<16xi32>
          %add3A_299 = vector.broadcast %add3A_296 : i32 to vector<16xi32>
          %add3A_300 = arith.addi %gather3A, %add3A_299 : vector<16xi32>
          %min3A_301 = arith.constant 16383 : i32
          %min3A_302 = vector.broadcast %min3A_301 : i32 to vector<16xi32>
          %min3A_303 = arith.minsi %add3A_300, %min3A_302 : vector<16xi32>
          %gather3A_304 = tpu.vector_load_idx %arg13[%min3A_303] masked %lt3A_298 : memref<16384xf32, #tpu.memory_space<vmem>>[vector<16xi32>], vector<16xf32>, vector<16xi1>
          %gt3A_305 = arith.cmpf ogt, %gather3A_304, %get3A_214 : vector<16xf32>
          %and3A_306 = arith.andi %lt3A_298, %gt3A_305 : vector<16xi1>
          %jit3A_307 = arith.constant 1 : i32
          %jit3A_308 = arith.constant 0 : i32
          %broadcast_in_dim3A_309 = vector.broadcast %jit3A_307 : i32 to vector<16xi32>
          %broadcast_in_dim3A_310 = vector.broadcast %jit3A_308 : i32 to vector<16xi32>
          %select_n3A_311 = arith.select %and3A_306, %broadcast_in_dim3A_309, %broadcast_in_dim3A_310 : vector<16xi1>, vector<16xi32>
          %add3A_312 = arith.addi %add3A_292, %select_n3A_311 : vector<16xi32>
          %mul3A_313 = arith.constant 4 : i32
          %mul3A_314 = arith.muli %while3A_272, %mul3A_313 : i32
          %add3A_315 = arith.constant 2 : i32
          %add3A_316 = arith.addi %mul3A_314, %add3A_315 : i32
          %lt3A_317 = vector.broadcast %add3A_316 : i32 to vector<16xi32>
          %lt3A_318 = arith.cmpi slt, %lt3A_317, %gather3A_226 : vector<16xi32>
          %add3A_319 = vector.broadcast %add3A_316 : i32 to vector<16xi32>
          %add3A_320 = arith.addi %gather3A, %add3A_319 : vector<16xi32>
          %min3A_321 = arith.constant 16383 : i32
          %min3A_322 = vector.broadcast %min3A_321 : i32 to vector<16xi32>
          %min3A_323 = arith.minsi %add3A_320, %min3A_322 : vector<16xi32>
          %gather3A_324 = tpu.vector_load_idx %arg13[%min3A_323] masked %lt3A_318 : memref<16384xf32, #tpu.memory_space<vmem>>[vector<16xi32>], vector<16xf32>, vector<16xi1>
          %gt3A_325 = arith.cmpf ogt, %gather3A_324, %get3A_214 : vector<16xf32>
          %and3A_326 = arith.andi %lt3A_318, %gt3A_325 : vector<16xi1>
          %jit3A_327 = arith.constant 1 : i32
          %jit3A_328 = arith.constant 0 : i32
          %broadcast_in_dim3A_329 = vector.broadcast %jit3A_327 : i32 to vector<16xi32>
          %broadcast_in_dim3A_330 = vector.broadcast %jit3A_328 : i32 to vector<16xi32>
          %select_n3A_331 = arith.select %and3A_326, %broadcast_in_dim3A_329, %broadcast_in_dim3A_330 : vector<16xi1>, vector<16xi32>
          %add3A_332 = arith.addi %add3A_312, %select_n3A_331 : vector<16xi32>
          %mul3A_333 = arith.constant 4 : i32
          %mul3A_334 = arith.muli %while3A_272, %mul3A_333 : i32
          %add3A_335 = arith.constant 3 : i32
          %add3A_336 = arith.addi %mul3A_334, %add3A_335 : i32
          %lt3A_337 = vector.broadcast %add3A_336 : i32 to vector<16xi32>
          %lt3A_338 = arith.cmpi slt, %lt3A_337, %gather3A_226 : vector<16xi32>
          %add3A_339 = vector.broadcast %add3A_336 : i32 to vector<16xi32>
          %add3A_340 = arith.addi %gather3A, %add3A_339 : vector<16xi32>
          %min3A_341 = arith.constant 16383 : i32
          %min3A_342 = vector.broadcast %min3A_341 : i32 to vector<16xi32>
          %min3A_343 = arith.minsi %add3A_340, %min3A_342 : vector<16xi32>
          %gather3A_344 = tpu.vector_load_idx %arg13[%min3A_343] masked %lt3A_338 : memref<16384xf32, #tpu.memory_space<vmem>>[vector<16xi32>], vector<16xf32>, vector<16xi1>
          %gt3A_345 = arith.cmpf ogt, %gather3A_344, %get3A_214 : vector<16xf32>
          %and3A_346 = arith.andi %lt3A_338, %gt3A_345 : vector<16xi1>
          %jit3A_347 = arith.constant 1 : i32
          %jit3A_348 = arith.constant 0 : i32
          %broadcast_in_dim3A_349 = vector.broadcast %jit3A_347 : i32 to vector<16xi32>
          %broadcast_in_dim3A_350 = vector.broadcast %jit3A_348 : i32 to vector<16xi32>
          %select_n3A_351 = arith.select %and3A_346, %broadcast_in_dim3A_349, %broadcast_in_dim3A_350 : vector<16xi1>, vector<16xi32>
          %add3A_352 = arith.addi %add3A_332, %select_n3A_351 : vector<16xi32>
          scf.yield %add3A_352 : vector<16xi32>
        }
        scf.yield %while3A_271 : vector<16xi32>
      }
      %convert_element_type3A_188 = arith.sitofp %scan3A_81#1 : vector<16xi32> to vector<16xf32>
      %convert_element_type3A_189 = arith.sitofp %while3A_187 : vector<16xi32> to vector<16xf32>
      %add3A_190 = arith.addf %convert_element_type3A_188, %convert_element_type3A_189 : vector<16xf32>
      %swap3A = arith.constant 0 : index
      %swap3A_191 = tpu.vector_load %arg16[%swap3A] {strides = array<i32>} : memref<32xf32, #tpu.memory_space<vmem>>, vector<16xf32>,
      tpu.vector_store %arg16[%swap3A], %add3A_190 {strides = array<i32>} : memref<32xf32, #tpu.memory_space<vmem>>, vector<16xf32>,
      %eq3A_192 = arith.constant 0 : i32
      %eq3A_193 = vector.broadcast %eq3A_192 : i32 to vector<16xi32>
      %eq3A_194 = arith.cmpi eq, %iota3A, %eq3A_193 : vector<16xi32>
      %eq3A_195 = arith.constant 0 : i32
      %eq3A_196 = arith.cmpi eq, %select_n3A_33, %eq3A_195 : i32
      %and3A_197 = vector.broadcast %eq3A_196 : i1 to vector<16xi1>
      %and3A_198 = arith.andi %eq3A_194, %and3A_197 : vector<16xi1>
      %convert_element_type3A_199 = arith.sitofp %reduce_max3A_89 : i32 to f32
      %jit3A_200 = arith.constant 0.000000e+00 : f32
      %broadcast_in_dim3A_201 = vector.broadcast %convert_element_type3A_199 : f32 to vector<16xf32>
      %broadcast_in_dim3A_202 = vector.broadcast %jit3A_200 : f32 to vector<16xf32>
      %select_n3A_203 = arith.select %and3A_198, %broadcast_in_dim3A_201, %broadcast_in_dim3A_202 : vector<16xi1>, vector<16xf32>
      %swap3A_204 = arith.constant 16 : index
      %swap3A_205 = tpu.vector_load %arg16[%swap3A_204] {strides = array<i32>} : memref<32xf32, #tpu.memory_space<vmem>>, vector<16xf32>,
      tpu.vector_store %arg16[%swap3A_204], %select_n3A_203 {strides = array<i32>} : memref<32xf32, #tpu.memory_space<vmem>>, vector<16xf32>,
      "tpu.region"() ({
        %run_scoped3A = tpu.sem_alloc : memref<!tpu.dma_semaphore, #tpu.memory_space<semaphore_mem>>
        %dma_start3A_206 = arith.constant 0 : i32
        %dma_start3A_207 = tpu.memref_slice %arg4[%add3A, %dma_start3A_206] : memref<30x32xf32, #tpu.memory_space<hbm>> -> memref<1x32xf32, #tpu.memory_space<hbm>>
        %dma_start3A_208 = tpu.memref_squeeze %dma_start3A_207 : memref<1x32xf32, #tpu.memory_space<hbm>> -> memref<32xf32, #tpu.memory_space<hbm>>
        %dma_start3A_209 = arith.constant 0 : i32
        %dma_start3A_210 = tpu.memref_slice %arg4[%add3A, %dma_start3A_209] : memref<30x32xf32, #tpu.memory_space<hbm>> -> memref<1x32xf32, #tpu.memory_space<hbm>>
        %dma_start3A_211 = tpu.memref_squeeze %dma_start3A_210 : memref<1x32xf32, #tpu.memory_space<hbm>> -> memref<32xf32, #tpu.memory_space<hbm>>
        tpu.enqueue_dma source(%arg16 : memref<32xf32, #tpu.memory_space<vmem>>) target(%dma_start3A_211 : memref<32xf32, #tpu.memory_space<hbm>>) target_semaphore(%run_scoped3A : memref<!tpu.dma_semaphore, #tpu.memory_space<semaphore_mem>>)
        %dma_wait3A_212 = arith.constant 0 : i32
        %dma_wait3A_213 = tpu.memref_slice %arg4[%add3A, %dma_wait3A_212] : memref<30x32xf32, #tpu.memory_space<hbm>> -> memref<1x32xf32, #tpu.memory_space<hbm>>
        %dma_wait3A_214 = tpu.memref_squeeze %dma_wait3A_213 : memref<1x32xf32, #tpu.memory_space<hbm>> -> memref<32xf32, #tpu.memory_space<hbm>>
        %dma_wait3A_215 = arith.constant 0 : i32
        %dma_wait3A_216 = tpu.memref_slice %arg4[%add3A, %dma_wait3A_215] : memref<30x32xf32, #tpu.memory_space<hbm>> -> memref<1x32xf32, #tpu.memory_space<hbm>>
        %dma_wait3A_217 = tpu.memref_squeeze %dma_wait3A_216 : memref<1x32xf32, #tpu.memory_space<hbm>> -> memref<32xf32, #tpu.memory_space<hbm>>
        tpu.wait_dma2 semaphore(%run_scoped3A : memref<!tpu.dma_semaphore, #tpu.memory_space<semaphore_mem>>) src(%arg16 : memref<32xf32, #tpu.memory_space<vmem>>) dst(%dma_wait3A_217 : memref<32xf32, #tpu.memory_space<hbm>>)
        tpu.yield
      }) : () -> ()
    } else {
    }
    return
  }
}

module attributes {stable_mosaic.version = 14 : i64} {
  func.func @_prep_body(%arg0: i32, %arg1: memref<10x2048xf32, #tpu.memory_space<vmem>>, %arg2: memref<16384xi32, #tpu.memory_space<vmem>>, %arg3: memref<10x2048xf32, #tpu.memory_space<vmem>>, %arg4: memref<8x128xf32, #tpu.memory_space<vmem>>) attributes {dimension_semantics = [#tpu.dimension_semantics<arbitrary>], iteration_bounds = array<i64: 8>, scalar_prefetch = 0 : i64, scratch_operands = 0 : i64, tpu.core_type = #tpu.core_type<tc>, window_params = [{transform_indices = @transform_0, window_bounds = array<i64: 10, 2048>}, {pipeline_mode = #tpu.pipeline_mode<synchronous>, transform_indices = @transform_1, window_bounds = array<i64: 16384>}, {transform_indices = @transform_2, window_bounds = array<i64: 10, 2048>}, {pipeline_mode = #tpu.pipeline_mode<synchronous>, transform_indices = @transform_3, window_bounds = array<i64: 8, 128>}]} {
    %get3A = arith.constant 0 : index
    %get3A_0 = arith.constant 0 : index
    %get3A_1 = vector.load %arg1[%get3A, %get3A_0] : memref<10x2048xf32, #tpu.memory_space<vmem>>, vector<10x2048xf32>
    %reduce_max3A = arith.constant dense<0xFF800000> : vector<2048xf32>
    %reduce_max3A_2 = vector.multi_reduction <maximumf>, %get3A_1, %reduce_max3A [0] : vector<10x2048xf32> to vector<2048xf32>
    %broadcast_in_dim3A = vector.shape_cast %reduce_max3A_2 : vector<2048xf32> to vector<1x2048xf32>
    %sub3A = vector.broadcast %broadcast_in_dim3A : vector<1x2048xf32> to vector<10x2048xf32>
    %sub3A_3 = arith.subf %get3A_1, %sub3A : vector<10x2048xf32>
    %exp3A = math.exp %sub3A_3 : vector<10x2048xf32>
    %reduce_sum3A = arith.constant dense<0.000000e+00> : vector<2048xf32>
    %reduce_sum3A_4 = vector.multi_reduction <add>, %exp3A, %reduce_sum3A [0] : vector<10x2048xf32> to vector<2048xf32>
    %broadcast_in_dim3A_5 = vector.shape_cast %reduce_sum3A_4 : vector<2048xf32> to vector<1x2048xf32>
    %sub3A_6 = vector.broadcast %broadcast_in_dim3A : vector<1x2048xf32> to vector<10x2048xf32>
    %sub3A_7 = arith.subf %get3A_1, %sub3A_6 : vector<10x2048xf32>
    %log3A = math.log %broadcast_in_dim3A_5 : vector<1x2048xf32>
    %sub3A_8 = vector.broadcast %log3A : vector<1x2048xf32> to vector<10x2048xf32>
    %sub3A_9 = arith.subf %sub3A_7, %sub3A_8 : vector<10x2048xf32>
    %swap3A = arith.constant 0 : index
    %swap3A_10 = arith.constant 0 : index
    %swap3A_11 = vector.load %arg3[%swap3A, %swap3A_10] : memref<10x2048xf32, #tpu.memory_space<vmem>>, vector<10x2048xf32>
    tpu.vector_store %arg3[%swap3A, %swap3A_10], %sub3A_9 {strides = array<i32>} : memref<10x2048xf32, #tpu.memory_space<vmem>>, vector<10x2048xf32>,
    %mul3A = arith.constant 2048 : i32
    %mul3A_12 = arith.muli %arg0, %mul3A : i32
    %get3A_13 = arith.index_cast %mul3A_12 : i32 to index
    %get3A_14 = vector.load %arg2[%get3A_13] : memref<16384xi32, #tpu.memory_space<vmem>>, vector<2048xi32>
    %iota3A = tpu.iota {dimensions = array<i32: 0>} : vector<10x2048xi32>
    %broadcast_in_dim3A_15 = vector.shape_cast %get3A_14 : vector<2048xi32> to vector<1x2048xi32>
    %eq3A = vector.broadcast %broadcast_in_dim3A_15 : vector<1x2048xi32> to vector<10x2048xi32>
    %eq3A_16 = arith.cmpi eq, %iota3A, %eq3A : vector<10x2048xi32>
    %convert_element_type3A = arith.extui %eq3A_16 : vector<10x2048xi1> to vector<10x2048xi32>
    %convert_element_type3A_17 = arith.sitofp %convert_element_type3A : vector<10x2048xi32> to vector<10x2048xf32>
    %mul3A_18 = arith.mulf %convert_element_type3A_17, %sub3A_9 : vector<10x2048xf32>
    %reduce_sum3A_19 = arith.constant dense<0.000000e+00> : vector<2048xf32>
    %reduce_sum3A_20 = vector.multi_reduction <add>, %mul3A_18, %reduce_sum3A_19 [0] : vector<10x2048xf32> to vector<2048xf32>
    %reduce_sum3A_21 = arith.constant dense<0.000000e+00> : vector<2048xf32>
    %reduce_sum3A_22 = vector.multi_reduction <add>, %sub3A_9, %reduce_sum3A_21 [0] : vector<10x2048xf32> to vector<2048xf32>
    %mul3A_23 = arith.constant 0.899999976 : f32
    %mul3A_24 = vector.broadcast %mul3A_23 : f32 to vector<2048xf32>
    %mul3A_25 = arith.mulf %mul3A_24, %reduce_sum3A_20 : vector<2048xf32>
    %mul3A_26 = arith.constant 0.00999999977 : f32
    %mul3A_27 = vector.broadcast %mul3A_26 : f32 to vector<2048xf32>
    %mul3A_28 = arith.mulf %mul3A_27, %reduce_sum3A_22 : vector<2048xf32>
    %add3A = arith.addf %mul3A_25, %mul3A_28 : vector<2048xf32>
    %neg3A = arith.constant 0.000000e+00 : f32
    %neg3A_29 = vector.broadcast %neg3A : f32 to vector<2048xf32>
    %neg3A_30 = arith.subf %neg3A_29, %add3A : vector<2048xf32>
    %reduce_sum3A_31 = vector.shape_cast %neg3A_30 : vector<2048xf32> to vector<1x2048xf32>
    %reduce_sum3A_32 = arith.constant dense<0.000000e+00> : vector<1xf32>
    %reduce_sum3A_33 = vector.multi_reduction <add>, %reduce_sum3A_31, %reduce_sum3A_32 [1] : vector<1x2048xf32> to vector<1xf32>
    %reduce_sum3A_34 = vector.shape_cast %reduce_sum3A_33 : vector<1xf32> to vector<1x1xf32>
    %reduce_sum3A_35 = vector.extract %reduce_sum3A_34[0, 0] : f32 from vector<1x1xf32>
    %iota3A_36 = tpu.iota {dimensions = array<i32: 0>} : vector<8x128xi32>
    %eq3A_37 = arith.constant 0 : i32
    %eq3A_38 = vector.broadcast %eq3A_37 : i32 to vector<8x128xi32>
    %eq3A_39 = arith.cmpi eq, %iota3A_36, %eq3A_38 : vector<8x128xi32>
    %jit3A = arith.constant 0.000000e+00 : f32
    %broadcast_in_dim3A_40 = vector.broadcast %reduce_sum3A_35 : f32 to vector<8x128xf32>
    %broadcast_in_dim3A_41 = vector.broadcast %jit3A : f32 to vector<8x128xf32>
    %select_n3A = arith.select %eq3A_39, %broadcast_in_dim3A_40, %broadcast_in_dim3A_41 : vector<8x128xi1>, vector<8x128xf32>
    %eq3A_42 = arith.constant 0 : i32
    %eq3A_43 = arith.cmpi eq, %arg0, %eq3A_42 : i32
    %convert_element_type3A_44 = arith.extui %eq3A_43 : i1 to i32
    %cond3A = arith.constant 0 : i32
    %cond3A_45 = arith.cmpi ne, %convert_element_type3A_44, %cond3A : i32
    scf.if %cond3A_45 {
      %broadcast_in_dim3A_53 = arith.constant 0.000000e+00 : f32
      %broadcast_in_dim3A_54 = vector.broadcast %broadcast_in_dim3A_53 : f32 to vector<8x128xf32>
      %swap3A_55 = arith.constant 0 : index
      %swap3A_56 = arith.constant 0 : index
      %swap3A_57 = vector.load %arg4[%swap3A_55, %swap3A_56] : memref<8x128xf32, #tpu.memory_space<vmem>>, vector<8x128xf32>
      tpu.vector_store %arg4[%swap3A_55, %swap3A_56], %broadcast_in_dim3A_54 {strides = array<i32>} : memref<8x128xf32, #tpu.memory_space<vmem>>, vector<8x128xf32>,
    } else {
    }
    %get3A_46 = arith.constant 0 : index
    %get3A_47 = arith.constant 0 : index
    %get3A_48 = vector.load %arg4[%get3A_46, %get3A_47] : memref<8x128xf32, #tpu.memory_space<vmem>>, vector<8x128xf32>
    %add3A_49 = arith.addf %get3A_48, %select_n3A : vector<8x128xf32>
    %swap3A_50 = arith.constant 0 : index
    %swap3A_51 = arith.constant 0 : index
    %swap3A_52 = vector.load %arg4[%swap3A_50, %swap3A_51] : memref<8x128xf32, #tpu.memory_space<vmem>>, vector<8x128xf32>
    tpu.vector_store %arg4[%swap3A_50, %swap3A_51], %add3A_49 {strides = array<i32>} : memref<8x128xf32, #tpu.memory_space<vmem>>, vector<8x128xf32>,
    return
  }
  func.func @transform_0(%arg0: i32) -> (i32, i32) {
    %c0_i32 = arith.constant 0 : i32
    %c0_i32_0 = arith.constant 0 : i32
    return %c0_i32, %arg0 : i32, i32
  }
  func.func @transform_1(%arg0: i32) -> i32 {
    %c0_i32 = arith.constant 0 : i32
    %c0_i32_0 = arith.constant 0 : i32
    return %c0_i32 : i32
  }
  func.func @transform_2(%arg0: i32) -> (i32, i32) {
    %c0_i32 = arith.constant 0 : i32
    %c0_i32_0 = arith.constant 0 : i32
    return %c0_i32, %arg0 : i32, i32
  }
  func.func @transform_3(%arg0: i32) -> (i32, i32) {
    %c0_i32 = arith.constant 0 : i32
    %c0_i32_0 = arith.constant 0 : i32
    %c0_i32_1 = arith.constant 0 : i32
    return %c0_i32, %c0_i32_0 : i32, i32
  }
}

module attributes {stable_mosaic.version = 14 : i64} {
  func.func @_final_body(%arg0: memref<8x128xf32, #tpu.memory_space<vmem>>, %arg1: memref<30x32xf32, #tpu.memory_space<vmem>>, %arg2: memref<1x1xf32, #tpu.memory_space<smem>>) attributes {dimension_semantics = [], scalar_prefetch = 0 : i64, scratch_operands = 0 : i64, tpu.core_type = #tpu.core_type<tc>} {
    %get3A = arith.constant 0 : index
    %get3A_0 = arith.constant 0 : index
    %get3A_1 = vector.load %arg0[%get3A, %get3A_0] : memref<8x128xf32, #tpu.memory_space<vmem>>, vector<1x1xf32>
    %get3A_2 = vector.extract %get3A_1[0, 0] : f32 from vector<1x1xf32>
    %get3A_3 = arith.constant 0 : index
    %get3A_4 = arith.constant 0 : index
    %get3A_5 = vector.load %arg1[%get3A_3, %get3A_4] : memref<30x32xf32, #tpu.memory_space<vmem>>, vector<30x32xf32>
    %iota3A = tpu.iota {dimensions = array<i32: 1>} : vector<30x32xi32>
    %lt3A = arith.constant 16 : i32
    %lt3A_6 = vector.broadcast %lt3A : i32 to vector<30x32xi32>
    %lt3A_7 = arith.cmpi slt, %iota3A, %lt3A_6 : vector<30x32xi32>
    %jit3A = arith.constant 0.000000e+00 : f32
    %broadcast_in_dim3A = vector.broadcast %jit3A : f32 to vector<30x32xf32>
    %select_n3A = arith.select %lt3A_7, %get3A_5, %broadcast_in_dim3A : vector<30x32xi1>, vector<30x32xf32>
    %reduce_sum3A = arith.constant dense<0.000000e+00> : vector<30xf32>
    %reduce_sum3A_8 = vector.multi_reduction <add>, %select_n3A, %reduce_sum3A [1] : vector<30x32xf32> to vector<30xf32>
    %ge3A = arith.constant 16 : i32
    %ge3A_9 = vector.broadcast %ge3A : i32 to vector<30x32xi32>
    %ge3A_10 = arith.cmpi sge, %iota3A, %ge3A_9 : vector<30x32xi32>
    %jit3A_11 = arith.constant 0.000000e+00 : f32
    %broadcast_in_dim3A_12 = vector.broadcast %jit3A_11 : f32 to vector<30x32xf32>
    %select_n3A_13 = arith.select %ge3A_10, %get3A_5, %broadcast_in_dim3A_12 : vector<30x32xi1>, vector<30x32xf32>
    %reduce_sum3A_14 = arith.constant dense<0.000000e+00> : vector<30xf32>
    %reduce_sum3A_15 = vector.multi_reduction <add>, %select_n3A_13, %reduce_sum3A_14 [1] : vector<30x32xf32> to vector<30xf32>
    %slice3A = vector.extract_strided_slice %reduce_sum3A_8 {offsets = [0], sizes = [10], strides = [1]} : vector<30xf32> to vector<10xf32>
    %slice3A_16 = vector.extract_strided_slice %reduce_sum3A_8 {offsets = [10], sizes = [10], strides = [1]} : vector<30xf32> to vector<10xf32>
    %add3A = arith.addf %slice3A, %slice3A_16 : vector<10xf32>
    %slice3A_17 = vector.extract_strided_slice %reduce_sum3A_8 {offsets = [20], sizes = [10], strides = [1]} : vector<30xf32> to vector<10xf32>
    %add3A_18 = arith.addf %add3A, %slice3A_17 : vector<10xf32>
    %slice3A_19 = vector.extract_strided_slice %reduce_sum3A_15 {offsets = [0], sizes = [10], strides = [1]} : vector<30xf32> to vector<10xf32>
    %slice3A_20 = vector.extract_strided_slice %reduce_sum3A_15 {offsets = [10], sizes = [10], strides = [1]} : vector<30xf32> to vector<10xf32>
    %add3A_21 = arith.addf %slice3A_19, %slice3A_20 : vector<10xf32>
    %slice3A_22 = vector.extract_strided_slice %reduce_sum3A_15 {offsets = [20], sizes = [10], strides = [1]} : vector<30xf32> to vector<10xf32>
    %add3A_23 = arith.addf %add3A_21, %slice3A_22 : vector<10xf32>
    %sub3A = arith.constant 1.638400e+04 : f32
    %sub3A_24 = vector.broadcast %sub3A : f32 to vector<10xf32>
    %sub3A_25 = arith.subf %sub3A_24, %add3A_23 : vector<10xf32>
    %sub3A_26 = arith.constant 1.000000e+00 : f32
    %sub3A_27 = vector.broadcast %sub3A_26 : f32 to vector<10xf32>
    %sub3A_28 = arith.subf %add3A_23, %sub3A_27 : vector<10xf32>
    %mul3A = arith.mulf %add3A_23, %sub3A_28 : vector<10xf32>
    %mul3A_29 = arith.constant 5.000000e-01 : f32
    %mul3A_30 = vector.broadcast %mul3A_29 : f32 to vector<10xf32>
    %mul3A_31 = arith.mulf %mul3A, %mul3A_30 : vector<10xf32>
    %sub3A_32 = arith.subf %add3A_18, %mul3A_31 : vector<10xf32>
    %max3A = arith.constant 1.000000e+00 : f32
    %max3A_33 = vector.broadcast %max3A : f32 to vector<10xf32>
    %max3A_34 = arith.maximumf %add3A_23, %max3A_33 : vector<10xf32>
    %max3A_35 = arith.constant 1.000000e+00 : f32
    %max3A_36 = vector.broadcast %max3A_35 : f32 to vector<10xf32>
    %max3A_37 = arith.maximumf %sub3A_25, %max3A_36 : vector<10xf32>
    %mul3A_38 = arith.mulf %max3A_34, %max3A_37 : vector<10xf32>
    %div3A = arith.divf %sub3A_32, %mul3A_38 : vector<10xf32>
    %reduce_sum3A_39 = vector.shape_cast %div3A : vector<10xf32> to vector<1x10xf32>
    %reduce_sum3A_40 = arith.constant dense<0.000000e+00> : vector<1xf32>
    %reduce_sum3A_41 = vector.multi_reduction <add>, %reduce_sum3A_39, %reduce_sum3A_40 [1] : vector<1x10xf32> to vector<1xf32>
    %reduce_sum3A_42 = vector.shape_cast %reduce_sum3A_41 : vector<1xf32> to vector<1x1xf32>
    %reduce_sum3A_43 = vector.extract %reduce_sum3A_42[0, 0] : f32 from vector<1x1xf32>
    %div3A_44 = arith.constant 1.000000e+01 : f32
    %div3A_45 = arith.divf %reduce_sum3A_43, %div3A_44 : f32
    %div3A_46 = arith.constant 1.638400e+04 : f32
    %div3A_47 = arith.divf %get3A_2, %div3A_46 : f32
    %mul3A_48 = arith.constant 5.000000e-01 : f32
    %mul3A_49 = arith.mulf %mul3A_48, %div3A_47 : f32
    %mul3A_50 = arith.mulf %div3A_45, %div3A_45 : f32
    %sub3A_51 = arith.constant 1.000000e+00 : f32
    %sub3A_52 = arith.subf %sub3A_51, %mul3A_50 : f32
    %mul3A_53 = arith.constant 5.000000e-01 : f32
    %mul3A_54 = arith.mulf %mul3A_53, %sub3A_52 : f32
    %add3A_55 = arith.addf %mul3A_49, %mul3A_54 : f32
    %swap3A = arith.constant 0 : index
    %swap3A_56 = arith.constant 0 : index
    %swap3A_57 = memref.load %arg2[%swap3A, %swap3A_56] : memref<1x1xf32, #tpu.memory_space<smem>>
    memref.store %add3A_55, %arg2[%swap3A, %swap3A_56] : memref<1x1xf32, #tpu.memory_space<smem>>
    return
  }
}

</mosaic_0001>

<sc_bundles>
// kernel: kernel.5.cloned.1.call-start
scs
__scs_entry_jumppad:
0x0: {  	(pc) =	sbr.rel $0x88, $3  }
0x1: {  	(tag) =	ssettag $0x0;
	lr =	simm.s32 $0x1  }
0x2: {  	[smem:$0x3F9F] =	sst lr;
	_ =	strace $0xD0000000  }
0x3: {  	_ = 	snop  }
0x4: {  	_ = 	snop  }
0x5: {  	_ = 	snop  }
0x6: {  	_ = 	snop  }
0x7: {  	_ = 	snop  }
__scs_overlays_trampoline_lowered:
0x8: {  	[smem:$0x3FAE] =	sst s0  }
0x9: {  	[smem:$0x3FAF] =	sst s1  }
0xa: {  	[smem:$0x3FB0] =	sst s2  }
0xb: {  	[smem:$0x3FB1] =	sst s3  }
0xc: {  	[smem:$0x3FB2] =	sst s4  }
0xd: {  	[smem:$0x3FB3] =	sst s5  }
0xe: {  	[smem:$0x3FB4] =	sst s6  }
0xf: {  	[smem:$0x3FB5] =	sst s7  }
0x10: {  	[smem:$0x3FB6] =	sst s8  }
0x11: {  	[smem:$0x3FB7] =	sst s9;
	s0 =	simm.s32 @!p0 $0x0  }
0x12: {  	s1 =	sld [smem:$0x3F9D];
	s0 =	simm.s32 @p0 $0x1  }
0x13: {  	[smem:$0x3FB8] =	sst s0;
	s0 =	simm.s32 @!p1 $0x0  }
0x14: {  	s2 =	sld [smem:$0x3F9C];
	s0 =	simm.s32 @p1 $0x1  }
0x15: {  	[smem:$0x3FB9] =	sst s0;
	s0 =	simm.s32 @!p2 $0x0  }
0x16: {  	s3 =	sld [smem:$0x3FDB];
	s0 =	simm.s32 @p2 $0x1  }
0x17: {  	s4 =	simm.s32 $0x1BF5;
	[smem:$0x3FBB] =	sst s0  }
0x18: {  	s0 =	sld [smem:$0x3F9E];
	_ =	swait.ge [sflag:s4], $0x0  }
0x19: {  	s7 =	sld [smem:$0x3F9F]  }
0x1a: {  	s8 =	sadd.s32 $0xFFFFE003, lr  }
0x1b: {  	s9 =	sadd.s32 $0xFFFFFEF7, lr;
	s5 =	simm.s32 $0xFFFFFFFF;
	p2 =	slt.u32 s8, $0xFFFFF086  }
0x1c: {  	p1 =	slt.u32 s9, $0xF7A;
	s5 =	simm.s32 @!p2 $0x0  }
0x1d: {  	s5 =	simm.s32 @p1 $0x1;
	p0 =	seq.s32 s7, s2  }
0x1e: {  	s7 =	smul.u32 @!p0 $0xF7A, s2;
	p2 =	seq.s32 @!p0 s5, $0x0  }
0x1f: {  	s9 =	smul.u32 $0xF7A, s1;
	s8 =	simm.s32 @!p0 $0x1BF5;
	p2 =	por !p2, p0  }
0x20: {  	[sflag:s8] =	ssyncset.s32 @!p0 $0xFFFFF086;
	s6 =	sadd.s32 @!p0 s3, s7;
	s7 =	simm.s32 @!p0 $0x108  }
0x21: {  	s3 =	sadd.s32 s3, s9;
	s6 =	sadd.s32 @!p0 $0x88, s6;
	s7 =	simm.s32 @p2 $0x1082  }
0x22: {  	[simem:s7], [sflag:s8] =	dma.local @!p0 [hbm:s6], $0xF7A  }
0x23: {  	s9 =	sor.u32 $0xD0000000, s2;
	s6 =	simm.s32 $0x108;
	_ =	swait.ge @!p0 [sflag:s8], $0x0  }
0x24: {  	s3 =	sadd.s32 $0x88, s3;
	s6 =	simm.s32 @!p1 $0x1082;
	[sflag:s4] =	ssyncset.s32 $0xFFFFF086  }
0x25: {  	[simem:s6], [sflag:s4] =	dma.local [hbm:s3], $0xF7A  }
0x26: {  	[smem:$0x3F9F] =	sst s1;
	(tag) =	ssettag s2;
	_ =	strace s9  }
0x27: {  	s1 =	sld [smem:$0x3FAF]  }
0x28: {  	s2 =	sld [smem:$0x3FB0]  }
0x29: {  	s4 =	sld [smem:$0x3FB2]  }
0x2a: {  	p0 =	seq.s32 s5, $0x0;
	s5 =	sld [smem:$0x3FB3]  }
0x2b: {  	s6 =	sld [smem:$0x3FB4]  }
0x2c: {  	s7 =	sld [smem:$0x3FB5]  }
0x2d: {  	s3 =	simm.s32 $0x108;
	s8 =	sld [smem:$0x3FB6]  }
0x2e: {  	s3 =	simm.s32 @!p0 $0x1082;
	s9 =	sld [smem:$0x3FB7]  }
0x2f: {  	lr =	sadd.s32 s0, s3;
	s0 =	sld [smem:$0x3FAE]  }
0x30: {  	s3 =	sld [smem:$0x3FB1]  }
0x31: {  	[smem:$0x3FBA] =	sst s10  }
0x32: {  	s10 =	sld [smem:$0x3FB8];
	_ =	sdelay $0x3  }
0x33: {  	p0 =	seq.s32 s10, $0x1;
	s10 =	sld [smem:$0x3FBA];
	_ =	sdelay $0x3  }
0x34: {  	[smem:$0x3FBA] =	sst s10  }
0x35: {  	s10 =	sld [smem:$0x3FB9];
	_ =	sdelay $0x3  }
0x36: {  	p1 =	seq.s32 s10, $0x1;
	s10 =	sld [smem:$0x3FBA];
	_ =	sdelay $0x3  }
0x37: {  	[smem:$0x3FBA] =	sst s10  }
0x38: {  	s10 =	sld [smem:$0x3FBB]  }
0x39: {  	_ = 	snop;
	(pc) =	sbr.ind lr, $3  }
0x3a: {  	_ = 	snop  }
0x3b: {  	_ = 	snop  }
0x3c: {  	p2 =	seq.s32 s10, $0x1;
	s10 =	sld [smem:$0x3FBA]  }
0x3d: {  	_ =	shalt  }
0x3e: {  	_ =	shalt  }
0x3f: {  	_ =	shalt  }
0x40: {  	_ =	shalt  }
0x41: {  	_ =	shalt  }
0x42: {  	_ =	shalt  }
0x43: {  	_ =	shalt  }
0x44: {  	_ =	shalt  }
0x45: {  	_ =	shalt  }
0x46: {  	_ =	shalt  }
0x47: {  	_ =	shalt  }
0x48: {  	_ =	shalt  }
0x49: {  	_ =	shalt  }
0x4a: {  	_ =	shalt  }
0x4b: {  	_ =	shalt  }
0x4c: {  	_ =	shalt  }
0x4d: {  	_ =	shalt  }
0x4e: {  	_ =	shalt  }
0x4f: {  	_ =	shalt  }
0x50: {  	_ =	shalt  }
0x51: {  	_ =	shalt  }
0x52: {  	_ =	shalt  }
0x53: {  	_ =	shalt  }
0x54: {  	_ =	shalt  }
0x55: {  	_ =	shalt  }
0x56: {  	_ =	shalt  }
0x57: {  	_ =	shalt  }
0x58: {  	_ =	shalt  }
0x59: {  	_ =	shalt  }
0x5a: {  	_ =	shalt  }
0x5b: {  	_ =	shalt  }
0x5c: {  	_ =	shalt  }
0x5d: {  	_ =	shalt  }
0x5e: {  	_ =	shalt  }
0x5f: {  	_ =	shalt  }
0x60: {  	_ =	shalt  }
0x61: {  	_ =	shalt  }
0x62: {  	_ =	shalt  }
0x63: {  	_ =	shalt  }
0x64: {  	_ =	shalt  }
0x65: {  	_ =	shalt  }
0x66: {  	_ =	shalt  }
0x67: {  	_ =	shalt  }
0x68: {  	_ =	shalt  }
0x69: {  	_ =	shalt  }
0x6a: {  	_ =	shalt  }
0x6b: {  	_ =	shalt  }
0x6c: {  	_ =	shalt  }
0x6d: {  	_ =	shalt  }
0x6e: {  	_ =	shalt  }
0x6f: {  	_ =	shalt  }
0x70: {  	_ =	shalt  }
0x71: {  	_ =	shalt  }
0x72: {  	_ =	shalt  }
0x73: {  	_ =	shalt  }
0x74: {  	_ =	shalt  }
0x75: {  	_ =	shalt  }
0x76: {  	_ =	shalt  }
0x77: {  	_ =	shalt  }
0x78: {  	_ =	shalt  }
0x79: {  	_ =	shalt  }
0x7a: {  	_ =	shalt  }
0x7b: {  	_ =	shalt  }
0x7c: {  	_ =	shalt  }
0x7d: {  	_ =	shalt  }
0x7e: {  	_ =	shalt  }
0x7f: {  	_ =	shalt  }
0x80: {  	_ =	shalt  }
0x81: {  	_ =	shalt  }
0x82: {  	_ =	shalt  }
0x83: {  	_ =	shalt  }
0x84: {  	_ =	shalt  }
0x85: {  	_ =	shalt  }
0x86: {  	_ =	shalt  }
0x87: {  	_ =	shalt  }
.Lfunc_end0:
.L_simem_size_0:
called_computation_lowered:
.L_overlay_start_0:
0x88: {  	s2 =	sld [smem:$0x3FD9]  }
0x89: {  	s3 =	sld [smem:$0x3FFE];
	_ =	sdelay $0x1  }
0x8a: {  	s1 =	srdreg.scid  }
0x8b: {  	s0 =	sand.u32 $0x1, s1  }
0x8c: {  	s17 =	sshll.u32 s0, $0xA;
	s2 =	sadd.s32 s3, s2  }
0x8d: {  	s2 =	sadd.s32 s2, s17  }
0x8e: {  	[smem:$0x3FC6] =	sst s2  }
0x8f: {  	_ = 	snop  }
0x90: {  	s2 =	sld [smem:$0x3FC8];
	(tm) =	ssettm $0x1  }
0x91: {  	s18 =	sld [smem:$0x3FFB];
	_ =	sdelay $0x3  }
0x92: {  	_ =	strace s18  }
0x93: {  	s3 =	sld [smem:$0x3FFC];
	_ =	sdelay $0x3  }
0x94: {  	_ =	strace s3  }
0x95: {  	s3 =	sld [smem:$0x3FFD];
	_ =	sdelay $0x3  }
0x96: {  	_ =	strace s3  }
0x97: {  	_ =	strace $0x8FFFFFFF  }
0x98: {  	s19 =	sld [smem:$0x3FDB];
	_ =	sdelay $0x1  }
0x99: {  	s4 =	simm.s32 $_scs_section_size  }
0x9a: {  	s5 =	simm.s32 $_size__tile_overlayer_lowered;
	s6 =	simm.s32 $_tile_overlayer_lowered  }
0x9b: {  	s22 =	simm.s32 $0x1BFF;
	s21 =	sshll.u32 s6, $0x1;
	s3 =	sadd.s32 s4, s19  }
0x9c: {  	s7 =	simm.s32 $0x0;
	s20 =	sshll.u32 s5, $0x1;
	s5 =	sadd.s32 s21, s3  }
0x9d: {  	[timem:s7], [sflag:s22] =	dma.local [hbm:s5], s20  }
0x9e: {  	_ =	swait.ge [sflag:s22], s20  }
0x9f: {  	s4 =	ssub.s32 $0x0, s20;
	[sflag:s22] =	ssyncset.done $0x0  }
0xa0: {  	[sflag:s22] =	ssyncadd.s32 s4;
	_ =	sdelay $0x1  }
0xa1: {  	s23 =	simm.s32 $0x1B8B  }
0xa2: {  	_ =	swait.ge [sflag:s23], $0x1  }
0xa3: {  	[sflag:s23] =	ssyncset.done $0x0  }
0xa4: {  	s25 =	simm.s32 $0x1B8E;
	s24 =	sld [smem:$0x3FFE];
	[sflag:s23] =	ssyncadd.s32 $0xFFFFFFFF  }
0xa5: {  	s26 =	simm.s32 $execute0_lowered;
	[smem:$0x3FD2] =	sst s25  }
0xa6: {  	s5 =	sshll.u32 s26, $0x1;
	_ =	strace $0x80000046;
	[dreg:$0x1] =	wrdreg $0xFFFFFFFF  }
0xa7: {  	s28 =	simm.s32 $_size_execute0_lowered;
	s3 =	sadd.s32 s3, s5;
	[dreg:$0x0] =	wrdreg $0x0  }
0xa8: {  	s5 =	sshll.u32 s28, $0x1;
	[dreg:$0x2] =	wrdreg s3  }
0xa9: {  	[dreg:$0x3] =	wrdreg s5  }
0xaa: {  	[dreg:$0x4] =	wrdreg $0xC0  }
0xab: {  	_ =	task [dreg:s7], $0x5FFFF  }
0xac: {  	[dreg:$0x1] =	wrdreg $0xFFFFFFFF  }
0xad: {  	[dreg:$0x0] =	wrdreg $0x60  }
0xae: {  	[dreg:$0x2] =	wrdreg s24  }
0xaf: {  	[dreg:$0x3] =	wrdreg s2  }
0xb0: {  	[dreg:$0x4] =	wrdreg $0x9  }
0xb1: {  	_ =	task.clear_ibuf [dreg:s7], $0x5FFFF;
	_ =	strace $0x90000046  }
0xb2: {  	s29 =	simm.s32 $0x9;
	_ =	strace $0x80000048  }
0xb3: {  	_ =	swait.ge [sflag:s29], $0x1  }
0xb4: {  	[sflag:s29] =	ssyncadd.s32 $0xFFFFFFFF  }
0xb5: {  	_ =	strace $0x90000048  }
0xb6: {  	_ =	sfence  }
0xb7: {  	s30 =	sld [smem:$0x0];
	_ =	sdelay $0x2  }
0xb8: {  	s31 =	sshll.u32 s1, $0xD;
	s1 =	sshrl.u32 s1, $0x2  }
0xb9: {  	s3 =	sand.u32 $0x4000, s31;
	s1 =	sadd.s32 s1, s30  }
0xba: {  	s0 =	sor.u32 s3, s0;
	s1 =	sshll.u32 s1, $0x11  }
0xbb: {  	s0 =	sor.u32 s1, s0  }
0xbc: {  	s0 =	sadd.s32 $0x8F2B, s0  }
0xbd: {  	[sflag:s0] =	ssyncadd.remote.s32 $0x1  }
0xbe: {  	_ =	sfence.sel $0xFFFF  }
0xbf: {  	[dreg:$0x0] =	wrdreg $0xFFFFFFFF;
	(pc) =	sbr.abs _section_cstart, $3  }
0xc0: {  	[dreg:$0x1] =	wrdreg $0xFFFFFFFF  }
0xc1: {  	_ =	task.clear_ibuf [dreg:s7], $0x2FFFF;
	_ =	strace $0x9FFFFFFF  }
0xc2: {  	(tm) =	ssettm $0x7FFFFFFF  }
0xc3: {  	_ =	shalt  }
tec
execute0_lowered:
.L_overlay_start_1:
0x0: {  	(tag) =	ssettag $0x1  }
0x1: {  	s1 =	stileid.u32  }
0x2: {  	p0 =	seq.s32 s1, $0xF  }
.Ltmp0:
0x3: {  	_ = 	snop;
	(pc) =	sbr.rel @!p0 .LBB2_1-.Ltmp0, $4  }
0x4: {  	_ = 	snop  }
0x5: {  	s3 =	simm.s32 $0x0  }
0x6: {  	[smem:$0x7FF] =	sst s3  }
0x7: {  	s0 =	rddreg [dreg:$0x0];
	_ =	strace $0x80000047  }
.LBB2_46:
0x8: {  	_ =	sfence.sel $0x180000  }
0x9: {  	[bflag:$0x0] =	sbarrier.arrive $0xFFFF  }
0xa: {  	_ =	strace $0x90000047  }
0xb: {  	s0 =	stileid.u32;
	[bflag:$0x2] =	sbarrier.arrive $0xFFFF  }
0xc: {  	p0 =	sne.s32 s0, $0x0;
	s0 =	rddreg [dreg:$0x2]  }
0xd: {  	s0 =	sadd.s32 @!p0 $0x100000, s0  }
0xe: {  	[sflag:s0] =	ssyncadd.tile.s32 @!p0 $0x1;
	_ =	shalt  }
.LBB2_1:
0xf: {  	s1 =	srdreg.scid  }
0x10: {  	s9 =	stileid.u32;
	s8 =	sadd.s32 $0xE00, s0;
	s12 =	simm.s32 $0x1  }
0x11: {  	s13 =	simm.s32 $0x2;
	s1 =	sand.u32 $0x1, s1;
	s2 =	sshll.u32 s9, $0x1  }
0x12: {  	s14 =	simm.s32 $0x10800;
	s15 =	simm.s32 $0x16800;
	s2 =	sor.u32 s1, s2  }
0x13: {  	s16 =	simm.s32 $0x1A880;
	s17 =	simm.s32 $0x1E980;
	s4 =	smul.u32 $0x1A, s2  }
0x14: {  	vm0 =	vmxor vm0, vm0;
	v0 =	vimm.s32 $0xFFEDCBA9;
	s18 =	simm.s32 $0x12000;
	s19 =	simm.s32 $0x12800;
	s20 =	simm.s32 $0x11800  }
0x15: {  	v1 =	vimm.s32 $0x87654321;
	v2 =	vimm.s32 $0xEDCBA987;
	vm2 =	vmmov $0x1;
	s21 =	simm.s32 $0x11000;
	s5 =	smul.u32 $0x34, s9;
	s6 =	sshrl.u32 s4, $0x8  }
0x16: {  	v3 =	vimm.s32 $0x65432100;
	vm3 =	vcmask $0x3F3C;
	v0 =	vunpack.c.l.s4.s8 v0;
	s26 =	ssub.s32 $0x2, s1;
	s7 =	sshll.u32 s2, $0x4;
	s23 =	smul.u32 $0xA, s6  }
0x17: {  	p0 =	slt.u32 s9, $0x5;
	vm1 =	vmmov vm0;
	v1 =	vunpack.c.l.s4.s8 v1;
	v2 =	vunpack.c.l.s4.s8 v2;
	s29 =	sshrl.u32 s26, $0x1;
	s25 =	sadd.s32 s7, s0  }
0x18: {  	v3 =	vunpack.c.l.s4.s8 v3;
	vm1 =	vmneg @p0 vm1;
	v4 =	vunpack.c.0.s8.s32 v0;
	s0 =	ssub.s32 s26, s29;
	s4 =	sshrl.u32 s5, $0x8;
	s2 =	ssub.s32 s2, s23  }
.Ltmp1:
0x19: {  	v5 =	vunpack.c.0.s8.s32 v1;
	vm2 =	vmand vm1, vm2;
	v6 =	vunpack.c.0.s8.s32 v2;
	s24 =	ssub.s32 $0x402, s4;
	s2 =	sand.u32 $0xFF, s2;
	(pc) =	sbr.rel .LBB2_2-.Ltmp1, $4  }
0x1a: {  	v1 =	vlaneseq.u32;
	v7 =	vunpack.c.0.s8.s32 v3;
	v2 =	vimm.s32 $0x0;
	s6 =	smul.u32 $0x5556, s24;
	s24 =	simm.s32 $0x0;
	s28 =	sshll.u32 s2, $0x4  }
0x1b: {  	v3 =	vmul.u32 $0x800, v1;
	v8 =	vcombine.low v5, v4;
	v5 =	vand.u32 $0xF, v6;
	s23 =	simm.s32 $0x3;
	s30 =	sshll.u32 s2, $0xB;
	s1 =	sand.u32 $0x70, s28  }
0x1c: {  	v4 =	vimm.s32 $0x1;
	v5 =	vcombine.low v7, v5;
	v7 =	vor.u32 $0x80000000, v1;
	s5 =	sshrl.u32 s6, $0x10;
	s31 =	sand.u32 $0x4000, s30;
	s1 =	sadd.s32 s8, s1  }
0x1d: {  	v6 =	vand.u32 $0xF, v8;
	v8 =	vadd.s32 $0x1, v1;
	s6 =	sadd.s32 $0x8E00, s25;
	v0 =	vmov s2;
	s8 =	smax.u32 s0, $0x1;
	s7 =	sadd.s32 s31, s1  }
.LBB2_45:
0x1e: {  	v9 =	vcvt.s32.f32 v9;
	v10 =	vcvt.s32.f32 v10  }
0x1f: {  	s0 =	scvt.s32.f32 s25  }
0x20: {  	v9 =	vadd.f32 v10, v9  }
0x21: {  	s24 =	sadd.s32 $0x1, s24;
	v10 =	vmov s0  }
0x22: {  	p0 =	sne.s32 s24, s8;
	[tilespmem:$0x1E900] =	vst v9;
	v9 =	vnsel vm2, $0x0, v10  }
.Ltmp2:
0x23: {  	s31 =	simm.s32 $0x1E900;
	[tilespmem:$0x1E910] =	vst v9;
	(pc) =	sbr.rel @!p0 .LBB2_46-.Ltmp2, $4  }
0x24: {  	[hbm4b:s6+s3] =	stream.linear.scatter [tilespmem:s31], [sflag:$0x3], $0x80, $0x38;
	[tilespmem:$0x1EA00] =	vst v63  }
0x25: {  	_ =	swait.ge [sflag:s23], $0x80  }
0x26: {  	[sflag:s23] =	ssyncset.done $0x0  }
0x27: {  	[sflag:s23] =	ssyncadd.s32 $0xFFFFFF80  }
.LBB2_2:
0x28: {  	s0 =	simm.s32 $0x0;
	s1 =	simm.s32 $0x80;
	s2 =	simm.s32 $0x400  }
0x29: {  	[tilespmem:s0], [sflag:$0x1] =	stream.strided.gather [hbm4b:s7+s1], $0x4000, s2, s1, $0x38;
	[tilespmem:$0x1EA00] =	vst v63  }
0x2a: {  	s30 =	rddreg [dreg:$0x1];
	s31 =	simm.s32 $0x4000  }
0x2b: {  	[tilespmem:s31], [sflag:$0x2] =	stream.linear.gather [hbm4b:s30+s0], $0x4000, $0x38;
	[tilespmem:$0x1EA00] =	vst v63  }
0x2c: {  	s1 =	simm.s32 $0x100;
	s0 =	simm.s32 $0x0  }
.LBB2_3:
0x2d: {  	p0 =	sne.s32 s1, $0x1FF00;
	[tilespmem:s0+$0x8030] =	vst v2;
	s2 =	smov.u32 s1;
	s1 =	sadd.s32 $0x100, s1  }
.Ltmp3:
0x2e: {  	[tilespmem:s0+$0x8020] =	vst v2;
	(pc) =	sbr.rel @p0 .LBB2_3-.Ltmp3, $3  }
0x2f: {  	[tilespmem:s0+$0x8000] =	vst v2  }
0x30: {  	[tilespmem:s0+$0x8010] =	vst v2;
	_ =	sdelay $0x1  }
0x31: {  	s0 =	sshra.s32 s2, $0x2  }
0x32: {  	[tilespmem:s0+$0x8030] =	vst v2  }
0x33: {  	[tilespmem:s0+$0x8020] =	vst v2  }
0x34: {  	[tilespmem:s0+$0x8000] =	vst v2  }
0x35: {  	[tilespmem:s0+$0x8010] =	vst v2  }
0x36: {  	_ =	swait.ge [sflag:s12], $0x4000  }
0x37: {  	[sflag:s12] =	ssyncset.done $0x0  }
0x38: {  	[sflag:s12] =	ssyncadd.s32 $0xFFFFC000  }
0x39: {  	_ =	swait.ge [sflag:s13], $0x4000  }
0x3a: {  	[sflag:s13] =	ssyncset.done $0x0  }
0x3b: {  	s0 =	simm.s32 $0x0;
	s1 =	simm.s32 $0x0;
	[sflag:s13] =	ssyncadd.s32 $0xFFFFC000  }
.LBB2_5:
0x3c: {  	s9 =	sshra.s32 s1, $0x2  }
0x3d: {  	v9 =	vld [tilespmem:s9+$0x0];
	_ =	sdelay $0x4  }
0x3e: {  	v9 =	vadd.f32 $8.000000000e+00, v9;
	_ =	sdelay $0x1  }
0x3f: {  	v9 =	vmul.f32 $2.560000000e+02, v9;
	_ =	sdelay $0x1  }
0x40: {  	v9 =	vtrunc.f32 v9  }
0x41: {  	v9 =	vcvt.f32.s32 v9;
	_ =	sdelay $0x1  }
0x42: {  	vm4 =	vgt.s32 v9, $0x0  }
0x43: {  	v9 =	vnsel vm4, $0x0, v9  }
0x44: {  	v9 =	vmin.u32 v9, $0x7FF  }
0x45: {  	v9 =	vor.u32 v3, v9;
	_ =	sdelay $0x3  }
0x46: {  	s2 =	simm.s32 $0x8000  }
0x47: {  	[tilespmem:v9+s2+$0x0] =	vst.idx.add.s32.msk $0xffff, v4  }
0x48: {  	v9 =	vld [tilespmem:s9+$0x10];
	_ =	sdelay $0x4  }
0x49: {  	v9 =	vadd.f32 $8.000000000e+00, v9;
	_ =	sdelay $0x1  }
0x4a: {  	v9 =	vmul.f32 $2.560000000e+02, v9;
	_ =	sdelay $0x1  }
0x4b: {  	v9 =	vtrunc.f32 v9  }
0x4c: {  	v9 =	vcvt.f32.s32 v9;
	_ =	sdelay $0x1  }
0x4d: {  	vm4 =	vgt.s32 v9, $0x0  }
0x4e: {  	v9 =	vnsel vm4, $0x0, v9  }
0x4f: {  	v9 =	vmin.u32 v9, $0x7FF  }
0x50: {  	v9 =	vor.u32 v3, v9;
	_ =	sdelay $0x4  }
0x51: {  	[tilespmem:v9+s2+$0x0] =	vst.idx.add.s32.msk $0xffff, v4  }
0x52: {  	v9 =	vld [tilespmem:s9+$0x20];
	_ =	sdelay $0x4  }
0x53: {  	v9 =	vadd.f32 $8.000000000e+00, v9;
	_ =	sdelay $0x1  }
0x54: {  	v9 =	vmul.f32 $2.560000000e+02, v9;
	_ =	sdelay $0x1  }
0x55: {  	v9 =	vtrunc.f32 v9  }
0x56: {  	v9 =	vcvt.f32.s32 v9;
	_ =	sdelay $0x1  }
0x57: {  	vm4 =	vgt.s32 v9, $0x0  }
0x58: {  	v9 =	vnsel vm4, $0x0, v9  }
0x59: {  	v9 =	vmin.u32 v9, $0x7FF  }
0x5a: {  	v9 =	vor.u32 v3, v9;
	_ =	sdelay $0x4  }
0x5b: {  	[tilespmem:v9+s2+$0x0] =	vst.idx.add.s32.msk $0xffff, v4  }
0x5c: {  	v9 =	vld [tilespmem:s9+$0x30];
	_ =	sdelay $0x4  }
0x5d: {  	v9 =	vadd.f32 $8.000000000e+00, v9;
	_ =	sdelay $0x1  }
0x5e: {  	v9 =	vmul.f32 $2.560000000e+02, v9;
	_ =	sdelay $0x1  }
0x5f: {  	v9 =	vtrunc.f32 v9  }
0x60: {  	v9 =	vcvt.f32.s32 v9;
	_ =	sdelay $0x1  }
0x61: {  	vm4 =	vgt.s32 v9, $0x0  }
0x62: {  	v9 =	vnsel vm4, $0x0, v9  }
0x63: {  	v9 =	vmin.u32 v9, $0x7FF  }
0x64: {  	p0 =	sne.s32 s1, $0xFF00;
	v9 =	vor.u32 v3, v9  }
.Ltmp4:
0x65: {  	_ = 	snop;
	(pc) =	sbr.rel @p0 .LBB2_5-.Ltmp4, $2  }
0x66: {  	_ =	sdelay $0x2  }
0x67: {  	s1 =	sadd.s32 $0x100, s1;
	[tilespmem:v9+s2+$0x0] =	vst.idx.add.s32.msk $0xffff, v4  }
0x68: {  	s0 =	sand.u32 $0x7F0, s0;
	v10 =	vld [tilespmem:s2+$0x0]  }
0x69: {  	v9 =	vld [tilespmem:s0+$0x8800]  }
0x6a: {  	v11 =	vld [tilespmem:s0+$0x9000]  }
0x6b: {  	v12 =	vld [tilespmem:s0+$0x9800]  }
0x6c: {  	v13 =	vld [tilespmem:s0+$0xA000]  }
0x6d: {  	v14 =	vld [tilespmem:s0+$0xA800]  }
0x6e: {  	v9 =	vadd.s32 v10, v9;
	v10 =	vld [tilespmem:s0+$0xB000]  }
0x6f: {  	v9 =	vadd.s32 v11, v9;
	v11 =	vld [tilespmem:s0+$0xB800]  }
0x70: {  	v58 =	vld [tilespmem:s0+$0xC000];
	v9 =	vadd.s32 v12, v9  }
0x71: {  	v59 =	vld [tilespmem:s0+$0xC800];
	v9 =	vadd.s32 v13, v9  }
0x72: {  	v60 =	vld [tilespmem:s0+$0xD000];
	v9 =	vadd.s32 v14, v9  }
0x73: {  	v9 =	vadd.s32 v10, v9;
	v10 =	vld [tilespmem:s0+$0xD800]  }
0x74: {  	v9 =	vadd.s32 v11, v9;
	v11 =	vld [tilespmem:s0+$0xE000]  }
0x75: {  	v61 =	vld [tilespmem:s0+$0xE800];
	v9 =	vadd.s32 v58, v9  }
0x76: {  	v62 =	vld [tilespmem:s0+$0xF000];
	v9 =	vadd.s32 v59, v9  }
0x77: {  	v63 =	vld [tilespmem:s0+$0xF800];
	v9 =	vadd.s32 v60, v9  }
0x78: {  	v9 =	vadd.s32 v10, v9  }
0x79: {  	v9 =	vadd.s32 v11, v9  }
0x7a: {  	v9 =	vadd.s32 v61, v9  }
0x7b: {  	v9 =	vadd.s32 v62, v9  }
0x7c: {  	s1 =	simm.s32 $0x10;
	s0 =	simm.s32 $0x10000;
	v9 =	vadd.s32 v63, v9  }
0x7d: {  	s1 =	sand.u32 $0x7F0, s1;
	[tilespmem:s0+$0x0] =	vst v9  }
0x7e: {  	s9 =	simm.s32 $0x20;
	s2 =	simm.s32 $0x8010;
	v9 =	vld [tilespmem:s1+$0x8800]  }
.LBB2_7:
0x7f: {  	p0 =	sne.s32 s9, $0x7F0;
	v10 =	vld [tilespmem:s2+$0x0]  }
0x80: {  	v11 =	vld [tilespmem:s1+$0x9000]  }
0x81: {  	v12 =	vld [tilespmem:s1+$0x9800]  }
0x82: {  	v13 =	vld [tilespmem:s1+$0xA000]  }
0x83: {  	v14 =	vld [tilespmem:s1+$0xA800]  }
0x84: {  	v9 =	vadd.s32 v10, v9;
	v10 =	vld [tilespmem:s1+$0xB000]  }
0x85: {  	v9 =	vadd.s32 v11, v9;
	v11 =	vld [tilespmem:s1+$0xB800]  }
0x86: {  	v9 =	vadd.s32 v12, v9;
	v12 =	vld [tilespmem:s1+$0xC000]  }
0x87: {  	v9 =	vadd.s32 v13, v9;
	v13 =	vld [tilespmem:s1+$0xC800]  }
0x88: {  	v9 =	vadd.s32 v14, v9;
	v14 =	vld [tilespmem:s1+$0xD000]  }
0x89: {  	v9 =	vadd.s32 v10, v9;
	v10 =	vld [tilespmem:s1+$0xD800]  }
0x8a: {  	v9 =	vadd.s32 v11, v9;
	v11 =	vld [tilespmem:s1+$0xE000]  }
0x8b: {  	v9 =	vadd.s32 v12, v9;
	v12 =	vld [tilespmem:s1+$0xE800]  }
0x8c: {  	v9 =	vadd.s32 v13, v9;
	v13 =	vld [tilespmem:s1+$0xF000]  }
0x8d: {  	v9 =	vadd.s32 v14, v9;
	v14 =	vld [tilespmem:s1+$0xF800]  }
0x8e: {  	v9 =	vadd.s32 v10, v9  }
0x8f: {  	v9 =	vadd.s32 v11, v9  }
.Ltmp5:
0x90: {  	v9 =	vadd.s32 v12, v9;
	(pc) =	sbr.rel @p0 .LBB2_7-.Ltmp5, $4  }
0x91: {  	v9 =	vadd.s32 v13, v9  }
0x92: {  	s0 =	sadd.s32 $0x10, s0;
	v9 =	vadd.s32 v14, v9  }
0x93: {  	s1 =	sand.u32 $0x7F0, s9;
	[tilespmem:s0+$0x0] =	vst v9  }
0x94: {  	s2 =	sadd.s32 $0x10, s2;
	s9 =	sadd.s32 $0x10, s9;
	v9 =	vld [tilespmem:s1+$0x8800]  }
0x95: {  	v10 =	vld [tilespmem:s2+$0x0]  }
0x96: {  	v11 =	vld [tilespmem:s1+$0x9000]  }
0x97: {  	v12 =	vld [tilespmem:s1+$0x9800]  }
0x98: {  	v13 =	vld [tilespmem:s1+$0xA000]  }
0x99: {  	v14 =	vld [tilespmem:s1+$0xA800]  }
0x9a: {  	v9 =	vadd.s32 v10, v9;
	v10 =	vld [tilespmem:s1+$0xB000]  }
0x9b: {  	v9 =	vadd.s32 v11, v9;
	v11 =	vld [tilespmem:s1+$0xB800]  }
0x9c: {  	v58 =	vld [tilespmem:s1+$0xC000];
	v9 =	vadd.s32 v12, v9  }
0x9d: {  	v59 =	vld [tilespmem:s1+$0xC800];
	v9 =	vadd.s32 v13, v9  }
0x9e: {  	v60 =	vld [tilespmem:s1+$0xD000];
	v9 =	vadd.s32 v14, v9  }
0x9f: {  	v9 =	vadd.s32 v10, v9;
	v10 =	vld [tilespmem:s1+$0xD800]  }
0xa0: {  	v9 =	vadd.s32 v11, v9;
	v11 =	vld [tilespmem:s1+$0xE000]  }
0xa1: {  	v61 =	vld [tilespmem:s1+$0xE800];
	v9 =	vadd.s32 v58, v9  }
0xa2: {  	v62 =	vld [tilespmem:s1+$0xF000];
	v9 =	vadd.s32 v59, v9  }
0xa3: {  	v63 =	vld [tilespmem:s1+$0xF800];
	v9 =	vadd.s32 v60, v9  }
0xa4: {  	v9 =	vadd.s32 v10, v9  }
0xa5: {  	p5 =	por $0x1, $0x1;
	v9 =	vadd.s32 v11, v9  }
.Ltmp6:
0xa6: {  	v9 =	vadd.s32 v61, v9;
	(pc) =	sbr.rel @!p5 .LBB2_9-.Ltmp6, $4  }
0xa7: {  	v9 =	vadd.s32 v62, v9  }
0xa8: {  	s0 =	sadd.s32 $0x10, s0;
	s25 =	simm.s32 $0x0;
	v9 =	vadd.s32 v63, v9  }
0xa9: {  	s26 =	simm.s32 $0x0;
	p0 =	por $0x0, $0x0;
	p1 =	por $0x0, $0x0;
	[tilespmem:s0+$0x0] =	vst v9  }
0xaa: {  	p2 =	por $0x0, $0x0;
	p3 =	por $0x0, $0x0;
	p4 =	por $0x0, $0x0;
	v10 =	vld [tilespmem:s26+$0x10000]  }
0xab: {  	p5 =	por $0x1, $0x1  }
.Ltmp7:
0xac: {  	_ = 	snop;
	(pc) =	sbr.rel @!p5 .LBB2_11-.Ltmp7, $3  }
0xad: {  	_ =	sdelay $0x1  }
0xae: {  	s30 =	simm.s32 $0x10  }
0xaf: {  	p0 =	por $0x1, $0x1;
	v13 =	vld [tilespmem:s30+$0x10000];
	(xrf0) =	vadd.scan.msk.s32 $0xffff, v10  }
0xb0: {  	_ =	sdelay $0x1  }
0xb1: {  	p5 =	por $0x1, $0x1  }
.Ltmp8:
0xb2: {  	_ = 	snop;
	(pc) =	sbr.rel @!p5 .LBB2_13-.Ltmp8, $4  }
0xb3: {  	_ = 	snop  }
0xb4: {  	v11, _, _ =	vpop (xrf0)  }
0xb5: {  	s31 =	simm.s32 $0x20;
	(xrf0) =	vadd.scan.msk.s32 $0xffff, v13;
	v9 =	vxor.u32 $0x80000000, v11  }
0xb6: {  	p1 =	por $0x1, $0x1;
	v15 =	vld [tilespmem:s31+$0x10000];
	(xrf0) =	vmax.scan.msk.u32 $0xffff, v9  }
0xb7: {  	_ =	sdelay $0x3  }
0xb8: {  	v16, _, _ =	vpop (xrf0)  }
0xb9: {  	v12, _, _ =	vpop (xrf0)  }
0xba: {  	(v2sf) =	vpush v12, $0xF;
	_ =	sdelay $0x6  }
0xbb: {  	p5 =	por $0x1, $0x1  }
.Ltmp9:
0xbc: {  	_ = 	snop;
	(pc) =	sbr.rel @!p5 .LBB2_15-.Ltmp9, $3  }
0xbd: {  	_ =	sdelay $0x1  }
0xbe: {  	s1 =	simm.s32 $0x30;
	(xrf0) =	vadd.scan.msk.s32 $0xffff, v15;
	v9 =	vxor.u32 $0x80000000, v16  }
0xbf: {  	p2 =	por $0x1, $0x1;
	v24 =	vld [tilespmem:s1+$0x10000];
	(xrf0) =	vmax.scan.msk.u32 $0xffff, v9  }
0xc0: {  	_ =	sdelay $0x3  }
0xc1: {  	v18, _, _ =	vpop (xrf0)  }
0xc2: {  	v12, _, _ =	vpop (xrf0)  }
0xc3: {  	(v2sf) =	vpush v12, $0xF;
	_ =	sdelay $0x2  }
0xc4: {  	p5 =	por $0x1, $0x1  }
.Ltmp10:
0xc5: {  	_ = 	snop;
	(pc) =	sbr.rel @!p5 .LBB2_17-.Ltmp10, $3  }
0xc6: {  	_ =	sdelay $0x1  }
0xc7: {  	s2 =	simm.s32 $0x40;
	(xrf0) =	vadd.scan.msk.s32 $0xffff, v24;
	v9 =	vxor.u32 $0x80000000, v18  }
0xc8: {  	p3 =	por $0x1, $0x1;
	v14 =	vld [tilespmem:s2+$0x10000];
	(xrf0) =	vmax.scan.msk.u32 $0xffff, v9  }
0xc9: {  	_ =	sdelay $0x3  }
0xca: {  	v17, _, _ =	vpop (xrf0)  }
0xcb: {  	v19, _, _ =	vpop (xrf0)  }
0xcc: {  	(v2sf) =	vpush v19, $0xF;
	_ =	sdelay $0x2  }
0xcd: {  	p5 =	por $0x1, $0x1  }
.Ltmp11:
0xce: {  	_ = 	snop;
	(pc) =	sbr.rel @!p5 .LBB2_19-.Ltmp11, $4  }
0xcf: {  	s29 =	simm.s32 $0x50;
	v20 =	vsub.s32 s25, v10;
	(xrf0) =	vadd.scan.msk.s32 $0xffff, v14  }
0xd0: {  	v9 =	vld [tilespmem:s29+$0x10000];
	v12 =	vxor.u32 $0x80000000, v17  }
0xd1: {  	s11 =	simm.s32 $0x180;
	p4 =	por $0x1, $0x1;
	s28 =	simm.s32 $0x0;
	(xrf0) =	vmax.scan.msk.u32 $0xffff, v12  }
0xd2: {  	s0 =	simm.s32 $0x10;
	s9 =	simm.s32 $0x20;
	s10 =	simm.s32 $0x0;
	v21 =	vmovc v16;
	v22 =	vmovc v18;
	v12 =	vadd.s32 v11, v20;
	v19 =	vmov v13;
	v20 =	vmov v15  }
.LBB2_20:
0xd3: {  	s22 =	sshra.s32 s11, $0x2  }
0xd4: {  	[tilespmem:s28+$0x10800] =	vst v12;
	s28 =	smov.u32 s0;
	s0 =	smov.u32 s9;
	p5 =	sne.s32 s11, $0x1FC0  }
.Ltmp12:
0xd5: {  	s11 =	sadd.s32 $0x40, s11;
	(xrf0) =	vadd.scan.msk.s32 $0xffff, v9;
	v23, _, _ =	vpop (xrf0);
	s9 =	spop (v2sf);
	(pc) =	sbr.rel @p5 .LBB2_20-.Ltmp12, $4  }
0xd6: {  	v25 =	vmov v9;
	v26 =	vxor.u32 $0x80000000, v23;
	s10 =	sadd.s32 s9, s10;
	v9 =	vld [tilespmem:s22+$0x10000];
	s9 =	smov.u32 s1;
	s1 =	smov.u32 s2  }
0xd7: {  	s2 =	smov.u32 s29;
	s29 =	smov.u32 s22;
	(xrf0) =	vmax.scan.msk.u32 $0xffff, v26;
	v12, _, _ =	vpop (xrf0);
	s10 =	sadd.s32 $0x80000000, s10  }
0xd8: {  	(v2sf) =	vpush v12, $0xF;
	v12 =	vsub.s32 s10, v19;
	v19 =	vmovc v20;
	v20 =	vmovc v24;
	v24 =	vmov v14  }
0xd9: {  	v14 =	vmovc v25;
	v12 =	vadd.s32 v21, v12;
	v21 =	vmovc v22;
	v22 =	vmov v17;
	v17 =	vmov v23  }
0xda: {  	v23 =	vmov v24  }
.LBB2_22:
0xdb: {  	(xrf0) =	vadd.scan.msk.s32 $0xffff, v9  }
0xdc: {  	v24, _, _ =	vpop @p0 (xrf0)  }
0xdd: {  	v25 =	vxor.u32 @p0 $0x80000000, v24;
	_ =	sdelay $0x1  }
0xde: {  	(xrf0) =	vmax.scan.msk.u32 @p0 $0xffff, v25  }
0xdf: {  	v25, _, _ =	vpop @p1 (xrf0)  }
0xe0: {  	v61, _, _ =	vpop (xrf0)  }
0xe1: {  	(v2sf) =	vpush @p1 v25, $0xF;
	v26 =	vxor.u32 $0x80000000, v61;
	_ =	sdelay $0x2  }
0xe2: {  	(xrf0) =	vmax.scan.msk.u32 $0xffff, v26;
	v26, _, _ =	vpop @p0 (xrf0)  }
0xe3: {  	(v2sf) =	vpush @p0 v26, $0xF;
	_ =	sdelay $0x1  }
0xe4: {  	s11 =	spop @p4 (v2sf)  }
0xe5: {  	s10 =	sadd.s32 @p4 s11, s10  }
0xe6: {  	s11 =	simm.s32 $0x0;
	s10 =	sadd.s32 @p4 $0x80000000, s10  }
0xe7: {  	s22 =	spop @p3 (v2sf);
	s11 =	smov.u32 @p4 s10;
	s10 =	smov.u32 s26  }
0xe8: {  	s10 =	smov.u32 @p2 s9;
	s9 =	sadd.s32 @p3 s22, s11  }
0xe9: {  	s30 =	smov.u32 @p1 s1;
	s1 =	sadd.s32 @p3 $0x80000000, s9;
	s9 =	simm.s32 $0x0;
	v62, _, _ =	vpop (xrf0)  }
0xea: {  	v20 =	vpsel p2, v20, v10;
	s9 =	smov.u32 @p3 s1;
	s1 =	spop @p2 (v2sf);
	(v2sf) =	vpush v62, $0xF  }
0xeb: {  	v14 =	vpsel p0, v14, v15;
	v15 =	vpsel p2, v22, v11;
	v16 =	vpsel p1, v17, v16;
	s1 =	sadd.s32 @p2 s1, s9  }
0xec: {  	s31 =	smov.u32 @p0 s2;
	s2 =	simm.s32 $0x0;
	[tilespmem:s28+$0x10800] =	vst @p4 v12;
	v10 =	vpsel p0, v14, v10;
	v12 =	vpsel p1, v16, v0;
	v19 =	vsub.s32 @p3 s11, v19;
	s1 =	sadd.s32 @p2 $0x80000000, s1  }
0xed: {  	v10 =	vpsel p0, v10, v0;
	s11 =	smov.u32 @p0 s31;
	v19 =	vadd.s32 @p3 v21, v19;
	v21 =	vmovc @p1 v23;
	v23 =	vmov @p0 v24;
	s2 =	smov.u32 @p2 s1;
	s1 =	spop @p1 (v2sf)  }
0xee: {  	s26 =	smov.u32 @p0 s11;
	s11 =	smov.u32 @p1 s30;
	v19 =	vpsel p3, v19, v0;
	v13 =	vpsel p1, v21, v13;
	v63 =	vpsel p0, v23, v18;
	s1 =	sadd.s32 @p1 s1, s2  }
0xef: {  	v18 =	vsub.s32 @p2 s9, v20;
	v13 =	vpsel p1, v13, v0;
	v11 =	vpsel p0, v63, v11;
	s9 =	smov.u32 @p2 s10;
	s10 =	simm.s32 $0x0;
	s1 =	sadd.s32 @p1 $0x80000000, s1  }
0xf0: {  	s0 =	smov.u32 @p3 s0;
	s11 =	smov.u32 @p1 s11;
	v15 =	vadd.s32 @p2 v15, v18;
	v11 =	vpsel p0, v11, v0;
	v13 =	vsub.s32 @p1 s2, v13;
	s10 =	smov.u32 @p1 s1  }
0xf1: {  	s22 =	smov.u32 @p0 s26;
	[tilespmem:s0+$0x10800] =	vst @p3 v19;
	s0 =	smov.u32 @p1 s11;
	v14 =	vpsel p2, v15, v0;
	v12 =	vadd.s32 @p1 v12, v13;
	v10 =	vsub.s32 @p0 s10, v10;
	s1 =	spop @p0 (v2sf)  }
0xf2: {  	s0 =	smov.u32 @p1 s0;
	[tilespmem:s9+$0x10800] =	vst @p2 v14;
	v12 =	vpsel p1, v12, v0;
	s2 =	smov.u32 @p0 s22;
	v10 =	vadd.s32 @p0 v11, v10;
	s1 =	sadd.s32 @p0 s1, s10  }
0xf3: {  	[tilespmem:s0+$0x10800] =	vst @p1 v12;
	s0 =	smov.u32 @p0 s2;
	v10 =	vpsel p0, v10, v0;
	s1 =	sadd.s32 @p0 $0x80000000, s1  }
0xf4: {  	[tilespmem:s0+$0x10800] =	vst @p0 v10;
	s25 =	smov.u32 @p0 s1;
	p0 =	por $0x1, $0x1  }
.Ltmp13:
0xf5: {  	_ = 	snop;
	(pc) =	sbr.rel @!p0 .LBB2_24-.Ltmp13, $4  }
0xf6: {  	_ = 	snop  }
0xf7: {  	v9 =	vsub.s32 s25, v9  }
0xf8: {  	v9 =	vadd.s32 v61, v9  }
0xf9: {  	s0 =	simm.s32 $0x0;
	s1 =	simm.s32 $0x100;
	s31 =	spop (v2sf);
	[tilespmem:s29+$0x10800] =	vst v9;
	v9 =	vimm.s32 $0x0  }
.LBB2_23:
0xfa: {  	p0 =	sne.s32 s1, $0x1FF00;
	[tilespmem:s0+$0x8020] =	vst v9;
	s2 =	smov.u32 s1;
	s1 =	sadd.s32 $0x100, s1  }
.Ltmp14:
0xfb: {  	[tilespmem:s0+$0x8010] =	vst v9;
	(pc) =	sbr.rel @p0 .LBB2_23-.Ltmp14, $3  }
0xfc: {  	[tilespmem:s0+$0x8030] =	vst v9  }
0xfd: {  	[tilespmem:s0+$0x8000] =	vst v9;
	_ =	sdelay $0x1  }
0xfe: {  	s0 =	sshra.s32 s2, $0x2  }
.LBB2_24:
0xff: {  	[tilespmem:s0+$0x8020] =	vst v9  }
0x100: {  	[tilespmem:s0+$0x8010] =	vst v9  }
0x101: {  	[tilespmem:s0+$0x8030] =	vst v9  }
0x102: {  	[tilespmem:s0+$0x8000] =	vst v9;
	s31 =	simm.s32 $0x0  }
0x103: {  	v10 =	vld [tilespmem:s31+$0x0]  }
0x104: {  	v11 =	vld [tilespmem:s31+$0x4000];
	_ =	sdelay $0x4  }
0x105: {  	v12 =	vadd.f32 $8.000000000e+00, v10;
	vm4 =	veq.s32 v11, v0  }
0x106: {  	v11 =	vsel vm4, $0x1, v2  }
0x107: {  	v12 =	vmul.f32 $2.560000000e+02, v12;
	(xrf0) =	vadd.scan.msk.s32 $0xffff, v11;
	_ =	sdelay $0x1  }
0x108: {  	v11 =	vtrunc.f32 v12  }
0x109: {  	v11 =	vcvt.f32.s32 v11;
	_ =	sdelay $0x1  }
0x10a: {  	vm5 =	vgt.s32 v11, $0x0  }
0x10b: {  	v11 =	vnsel vm5, $0x0, v11;
	v12, _, _ =	vpop (xrf0)  }
0x10c: {  	v11 =	vmin.u32 v11, $0x7FF;
	v12 =	vadd.s32 v12, v9  }
0x10d: {  	v12 =	vadd.s32 $0xFFFFFFFF, v12;
	_ =	sdelay $0x1  }
0x10e: {  	v13 =	vor.u32 v3, v11;
	_ =	sdelay $0x1  }
0x10f: {  	v15 =	vld.idx.msk [tilespmem:v11+s14+$0x0], $0xffff  }
0x110: {  	[tilespmem:v12+s15+$0x0] =	vst.idx.msk vm4, v10  }
0x111: {  	s1 =	simm.s32 $0x8000;
	v10 =	vmpcnt.ones.xlane vm4;
	[tilespmem:v12+s16+$0x0] =	vst.idx.msk vm4, v11  }
0x112: {  	s9 =	simm.s32 $0x10;
	[tilespmem:v13+s1+$0x0] =	vst.idx.add.s32.msk vm4, v4  }
0x113: {  	v10 =	vadd.s32 v9, v10;
	vm4 =	vmand vm1, vm4;
	v11 =	vld [tilespmem:s9+$0x0]  }
0x114: {  	s0 =	simm.s32 $0x0;
	s2 =	simm.s32 $0x80;
	v14 =	vld [tilespmem:s9+$0x4000];
	v12 =	vmov v10;
	v13 =	vnsel vm4, $0x0, v15  }
.LBB2_25:
0x115: {  	p0 =	sne.s32 s2, $0xFFC0;
	v9 =	vadd.s32 v9, v13;
	s9 =	smov.u32 s2;
	s2 =	sadd.s32 $0x40, s2  }
0x116: {  	_ =	sdelay $0x1  }
0x117: {  	v13 =	vadd.f32 $8.000000000e+00, v11  }
0x118: {  	vm4 =	veq.s32 v14, v0  }
0x119: {  	v13 =	vmul.f32 $2.560000000e+02, v13;
	v14 =	vsel vm4, $0x1, v2;
	v15 =	vmpcnt.ones.xlane vm4  }
0x11a: {  	(xrf0) =	vadd.scan.msk.s32 $0xffff, v14  }
0x11b: {  	v13 =	vtrunc.f32 v13;
	v10 =	vadd.s32 v10, v15  }
0x11c: {  	v13 =	vcvt.f32.s32 v13;
	_ =	sdelay $0x1  }
0x11d: {  	vm5 =	vgt.s32 v13, $0x0  }
0x11e: {  	v13 =	vnsel vm5, $0x0, v13  }
0x11f: {  	v13 =	vmin.u32 v13, $0x7FF;
	v14, _, _ =	vpop (xrf0)  }
0x120: {  	v14 =	vadd.s32 v14, v12;
	v12 =	vmov v10  }
0x121: {  	v14 =	vadd.s32 $0xFFFFFFFF, v14;
	_ =	sdelay $0x1  }
0x122: {  	v15 =	vor.u32 v3, v13  }
0x123: {  	v16 =	vld.idx.msk [tilespmem:v13+s14+$0x0], $0xffff;
	_ =	sdelay $0x1  }
.Ltmp15:
0x124: {  	[tilespmem:v14+s15+$0x0] =	vst.idx.msk vm4, v11;
	(pc) =	sbr.rel @p0 .LBB2_25-.Ltmp15, $4  }
0x125: {  	[tilespmem:v14+s16+$0x0] =	vst.idx.msk vm4, v13  }
0x126: {  	s9 =	sshra.s32 s9, $0x2;
	[tilespmem:v15+s1+$0x0] =	vst.idx.add.s32.msk vm4, v4  }
0x127: {  	vm4 =	vmand vm1, vm4;
	v11 =	vld [tilespmem:s9+$0x0]  }
0x128: {  	v13 =	vnsel vm4, $0x0, v16;
	v14 =	vld [tilespmem:s9+$0x4000]  }
0x129: {  	_ =	sdelay $0x3  }
0x12a: {  	vm4 =	veq.s32 v14, v0  }
0x12b: {  	v15 =	vadd.f32 $8.000000000e+00, v11;
	v14 =	vsel vm4, $0x1, v2  }
0x12c: {  	(xrf0) =	vadd.scan.msk.s32 $0xffff, v14  }
0x12d: {  	v15 =	vmul.f32 $2.560000000e+02, v15;
	_ =	sdelay $0x1  }
0x12e: {  	v49 =	vtrunc.f32 v15  }
0x12f: {  	v14 =	vcvt.f32.s32 v49;
	_ =	sdelay $0x1  }
0x130: {  	vm5 =	vgt.s32 v14, $0x0;
	v50, _, _ =	vpop (xrf0)  }
0x131: {  	v14 =	vnsel vm5, $0x0, v14;
	v12 =	vadd.s32 v50, v12  }
0x132: {  	v14 =	vmin.u32 v14, $0x7FF;
	v12 =	vadd.s32 $0xFFFFFFFF, v12;
	_ =	sdelay $0x1  }
0x133: {  	v51 =	vor.u32 v3, v14;
	_ =	sdelay $0x2  }
0x134: {  	v16 =	vld.idx.msk [tilespmem:v14+s14+$0x0], $0xffff;
	[tilespmem:v12+s15+$0x0] =	vst.idx.msk vm4, v11  }
0x135: {  	s1 =	simm.s32 $0x8000;
	[tilespmem:v12+s16+$0x0] =	vst.idx.msk vm4, v14  }
0x136: {  	s0 =	sand.u32 $0x7F0, s0;
	[tilespmem:v51+s1+$0x0] =	vst.idx.add.s32.msk vm4, v4  }
0x137: {  	v11 =	vld [tilespmem:s0+$0x8800]  }
0x138: {  	v12 =	vld [tilespmem:s1+$0x0]  }
0x139: {  	v14 =	vld [tilespmem:s0+$0x9000]  }
0x13a: {  	v15 =	vld [tilespmem:s0+$0x9800]  }
0x13b: {  	v17 =	vld [tilespmem:s0+$0xA000]  }
0x13c: {  	v18 =	vld [tilespmem:s0+$0xA800]  }
0x13d: {  	v52 =	vld [tilespmem:s0+$0xB000];
	v11 =	vadd.s32 v12, v11  }
0x13e: {  	v53 =	vld [tilespmem:s0+$0xB800];
	v11 =	vadd.s32 v14, v11  }
0x13f: {  	v54 =	vld [tilespmem:s0+$0xC000];
	v11 =	vadd.s32 v15, v11  }
0x140: {  	v55 =	vld [tilespmem:s0+$0xC800];
	v11 =	vadd.s32 v17, v11  }
0x141: {  	v56 =	vld [tilespmem:s0+$0xD000];
	v11 =	vadd.s32 v18, v11  }
0x142: {  	v57 =	vld [tilespmem:s0+$0xD800];
	v11 =	vadd.s32 v52, v11  }
0x143: {  	v58 =	vld [tilespmem:s0+$0xE000];
	v11 =	vadd.s32 v53, v11  }
0x144: {  	v59 =	vld [tilespmem:s0+$0xE800];
	v11 =	vadd.s32 v54, v11  }
0x145: {  	v60 =	vld [tilespmem:s0+$0xF000];
	v11 =	vadd.s32 v55, v11  }
0x146: {  	v61 =	vld [tilespmem:s0+$0xF800];
	v11 =	vadd.s32 v56, v11  }
0x147: {  	v11 =	vadd.s32 v57, v11  }
0x148: {  	v11 =	vadd.s32 v58, v11  }
0x149: {  	v11 =	vadd.s32 v59, v11  }
0x14a: {  	v11 =	vadd.s32 v60, v11  }
0x14b: {  	s31 =	simm.s32 $0x10;
	v62 =	vmpcnt.ones.xlane vm4;
	vm4 =	vmand vm1, vm4;
	s0 =	simm.s32 $0x10000;
	v11 =	vadd.s32 v61, v11  }
0x14c: {  	v9 =	vadd.s32 v9, v13;
	v63 =	vnsel vm4, $0x0, v16;
	s1 =	sand.u32 $0x7F0, s31;
	[tilespmem:s0+$0x0] =	vst v11  }
0x14d: {  	s9 =	simm.s32 $0x20;
	s2 =	simm.s32 $0x8010;
	v10 =	vadd.s32 v10, v62;
	v9 =	vadd.s32 v9, v63;
	v11 =	vld [tilespmem:s1+$0x8800]  }
.LBB2_27:
0x14e: {  	p0 =	sne.s32 s9, $0x7F0;
	v12 =	vld [tilespmem:s2+$0x0]  }
0x14f: {  	v13 =	vld [tilespmem:s1+$0x9000]  }
0x150: {  	v14 =	vld [tilespmem:s1+$0x9800]  }
0x151: {  	v15 =	vld [tilespmem:s1+$0xA000]  }
0x152: {  	v16 =	vld [tilespmem:s1+$0xA800]  }
0x153: {  	v11 =	vadd.s32 v12, v11;
	v12 =	vld [tilespmem:s1+$0xB000]  }
0x154: {  	v11 =	vadd.s32 v13, v11;
	v13 =	vld [tilespmem:s1+$0xB800]  }
0x155: {  	v11 =	vadd.s32 v14, v11;
	v14 =	vld [tilespmem:s1+$0xC000]  }
0x156: {  	v11 =	vadd.s32 v15, v11;
	v15 =	vld [tilespmem:s1+$0xC800]  }
0x157: {  	v11 =	vadd.s32 v16, v11;
	v16 =	vld [tilespmem:s1+$0xD000]  }
0x158: {  	v11 =	vadd.s32 v12, v11;
	v12 =	vld [tilespmem:s1+$0xD800]  }
0x159: {  	v11 =	vadd.s32 v13, v11;
	v13 =	vld [tilespmem:s1+$0xE000]  }
0x15a: {  	v11 =	vadd.s32 v14, v11;
	v14 =	vld [tilespmem:s1+$0xE800]  }
0x15b: {  	v11 =	vadd.s32 v15, v11;
	v15 =	vld [tilespmem:s1+$0xF000]  }
0x15c: {  	v11 =	vadd.s32 v16, v11;
	v16 =	vld [tilespmem:s1+$0xF800]  }
0x15d: {  	v11 =	vadd.s32 v12, v11  }
0x15e: {  	v11 =	vadd.s32 v13, v11  }
.Ltmp16:
0x15f: {  	v11 =	vadd.s32 v14, v11;
	(pc) =	sbr.rel @p0 .LBB2_27-.Ltmp16, $4  }
0x160: {  	v11 =	vadd.s32 v15, v11  }
0x161: {  	s0 =	sadd.s32 $0x10, s0;
	v11 =	vadd.s32 v16, v11  }
0x162: {  	s1 =	sand.u32 $0x7F0, s9;
	[tilespmem:s0+$0x0] =	vst v11  }
0x163: {  	s2 =	sadd.s32 $0x10, s2;
	s9 =	sadd.s32 $0x10, s9;
	v11 =	vld [tilespmem:s1+$0x8800]  }
0x164: {  	v12 =	vld [tilespmem:s2+$0x0]  }
0x165: {  	v13 =	vld [tilespmem:s1+$0x9000]  }
0x166: {  	v14 =	vld [tilespmem:s1+$0x9800]  }
0x167: {  	v15 =	vld [tilespmem:s1+$0xA000]  }
0x168: {  	v16 =	vld [tilespmem:s1+$0xA800]  }
0x169: {  	v11 =	vadd.s32 v12, v11;
	v12 =	vld [tilespmem:s1+$0xB000]  }
0x16a: {  	v11 =	vadd.s32 v13, v11;
	v13 =	vld [tilespmem:s1+$0xB800]  }
0x16b: {  	v11 =	vadd.s32 v14, v11;
	v14 =	vld [tilespmem:s1+$0xC000]  }
0x16c: {  	v11 =	vadd.s32 v15, v11;
	v15 =	vld [tilespmem:s1+$0xC800]  }
0x16d: {  	v11 =	vadd.s32 v16, v11;
	v16 =	vld [tilespmem:s1+$0xD000]  }
0x16e: {  	v11 =	vadd.s32 v12, v11;
	v12 =	vld [tilespmem:s1+$0xD800]  }
0x16f: {  	v11 =	vadd.s32 v13, v11;
	v13 =	vld [tilespmem:s1+$0xE000]  }
0x170: {  	v11 =	vadd.s32 v14, v11;
	v14 =	vld [tilespmem:s1+$0xE800]  }
0x171: {  	v11 =	vadd.s32 v15, v11;
	v15 =	vld [tilespmem:s1+$0xF000]  }
0x172: {  	v11 =	vadd.s32 v16, v11;
	v16 =	vld [tilespmem:s1+$0xF800]  }
0x173: {  	v11 =	vadd.s32 v12, v11  }
0x174: {  	v11 =	vadd.s32 v13, v11  }
0x175: {  	v11 =	vadd.s32 v14, v11  }
0x176: {  	v11 =	vadd.s32 v15, v11  }
0x177: {  	s0 =	sadd.s32 $0x10, s0;
	v11 =	vadd.s32 v16, v11  }
0x178: {  	s10 =	simm.s32 $0x0;
	[tilespmem:s0+$0x0] =	vst v11  }
0x179: {  	v12 =	vld [tilespmem:s10+$0x10000];
	_ =	sdelay $0x4  }
0x17a: {  	s9 =	simm.s32 $0x10;
	[tilespmem:s10+$0x11000] =	vst v12  }
0x17b: {  	v13 =	vld [tilespmem:s9+$0x10000];
	_ =	sdelay $0x1  }
0x17c: {  	(xrf0) =	vadd.scan.msk.s32 $0xffff, v12;
	_ =	sdelay $0x2  }
0x17d: {  	s26 =	simm.s32 $0x20;
	[tilespmem:s9+$0x11000] =	vst v13  }
0x17e: {  	v14 =	vld [tilespmem:s26+$0x10000];
	_ =	sdelay $0x1  }
0x17f: {  	v15, _, _ =	vpop (xrf0)  }
0x180: {  	(xrf0) =	vadd.scan.msk.s32 $0xffff, v13;
	v11 =	vxor.u32 $0x80000000, v15  }
0x181: {  	(xrf0) =	vmax.scan.msk.u32 $0xffff, v11  }
0x182: {  	(xrf0) =	vadd.scan.msk.s32 $0xffff, v14  }
0x183: {  	s0 =	simm.s32 $0x30;
	[tilespmem:s26+$0x11000] =	vst v14  }
0x184: {  	v17 =	vld [tilespmem:s0+$0x10000];
	_ =	sdelay $0x1  }
0x185: {  	v16, _, _ =	vpop (xrf0)  }
0x186: {  	v11 =	vxor.u32 $0x80000000, v16;
	v18, _, _ =	vpop (xrf0)  }
0x187: {  	(xrf0) =	vmax.scan.msk.u32 $0xffff, v11;
	v19, _, _ =	vpop (xrf0)  }
0x188: {  	(xrf0) =	vadd.scan.msk.s32 $0xffff, v17;
	v11 =	vxor.u32 $0x80000000, v19  }
0x189: {  	(xrf0) =	vmax.scan.msk.u32 $0xffff, v11;
	_ =	sdelay $0x2  }
0x18a: {  	(v2sf) =	vpush v18, $0xF  }
0x18b: {  	v20 =	vsub.s32 v15, v12;
	v12, _, _ =	vpop (xrf0)  }
0x18c: {  	v15 =	vsub.s32 v16, v13;
	v13 =	vsub.s32 v19, v14;
	v14, _, _ =	vpop (xrf0)  }
0x18d: {  	s1 =	simm.s32 $0x40;
	[tilespmem:s0+$0x11000] =	vst v17;
	(v2sf) =	vpush v12, $0xF;
	v19, _, _ =	vpop (xrf0)  }
0x18e: {  	v11 =	vld [tilespmem:s1+$0x10000];
	(v2sf) =	vpush v19, $0xF;
	_ =	sdelay $0x4  }
0x18f: {  	s2 =	simm.s32 $0x50;
	[tilespmem:s1+$0x11000] =	vst v11;
	(xrf0) =	vadd.scan.msk.s32 $0xffff, v11  }
0x190: {  	s25 =	simm.s32 $0x0;
	v18 =	vxor.u32 $0x80000000, v14;
	v12 =	vld [tilespmem:s2+$0x10000]  }
0x191: {  	v16 =	vadd.s32 s25, v20;
	(xrf0) =	vmax.scan.msk.u32 $0xffff, v18  }
0x192: {  	s11 =	simm.s32 $0x180;
	v14 =	vsub.s32 v14, v17;
	[tilespmem:s10+$0x11800] =	vst v16  }
.LBB2_29:
0x193: {  	s22 =	sshra.s32 s11, $0x2  }
0x194: {  	[tilespmem:s10+$0x12000] =	vst v16;
	s10 =	smov.u32 s9;
	s9 =	smov.u32 s26;
	p0 =	sne.s32 s11, $0x1FC0  }
.Ltmp17:
0x195: {  	s11 =	sadd.s32 $0x40, s11;
	[tilespmem:s2+$0x11000] =	vst v12;
	(xrf0) =	vadd.scan.msk.s32 $0xffff, v12;
	v16, _, _ =	vpop (xrf0);
	s26 =	spop (v2sf);
	(pc) =	sbr.rel @p0 .LBB2_29-.Ltmp17, $4  }
0x196: {  	v17 =	vsub.s32 v16, v11;
	v18 =	vxor.u32 $0x80000000, v16;
	s25 =	sadd.s32 s26, s25;
	v11 =	vmov v12;
	v12 =	vld [tilespmem:s22+$0x10000];
	s26 =	smov.u32 s0;
	s0 =	smov.u32 s1  }
0x197: {  	s1 =	smov.u32 s2;
	s2 =	smov.u32 s22;
	(xrf0) =	vmax.scan.msk.u32 $0xffff, v18;
	v16, _, _ =	vpop (xrf0);
	s25 =	sadd.s32 $0x80000000, s25  }
0x198: {  	(v2sf) =	vpush v16, $0xF;
	v16 =	vadd.s32 s25, v15;
	v15 =	vmovc v13;
	v13 =	vmovc v14;
	v14 =	vmov v17  }
0x199: {  	[tilespmem:s10+$0x11800] =	vst v16  }
0x19a: {  	_ = 	snop  }
0x19b: {  	(xrf0) =	vadd.scan.msk.s32 $0xffff, v12;
	_ =	sdelay $0x3  }
0x19c: {  	v17, _, _ =	vpop (xrf0)  }
0x19d: {  	v18, _, _ =	vpop (xrf0)  }
0x19e: {  	v19 =	vxor.u32 $0x80000000, v17;
	v20, _, _ =	vpop (xrf0)  }
0x19f: {  	(xrf0) =	vmax.scan.msk.u32 $0xffff, v19;
	v63 =	vxor.u32 $0x80000000, v20  }
0x1a0: {  	v10 =	vxor.u32 $0x80000000, v10;
	(xrf0) =	vmax.scan.msk.u32 $0xffff, v63  }
0x1a1: {  	(xrf0) =	vmax.scan.msk.u32 $0xffff, v10;
	_ =	sdelay $0x3  }
0x1a2: {  	(v2sf) =	vpush v18, $0xF;
	v10, _, _ =	vpop (xrf0)  }
0x1a3: {  	(v2sf) =	vpush v10, $0xF;
	v10, _, _ =	vpop (xrf0)  }
0x1a4: {  	(v2sf) =	vpush v10, $0xF;
	v10, _, _ =	vpop (xrf0)  }
0x1a5: {  	(v2sf) =	vpush v10, $0xF;
	_ =	sdelay $0x8  }
0x1a6: {  	s11 =	spop (v2sf)  }
0x1a7: {  	s11 =	sadd.s32 s11, s25;
	s22 =	spop (v2sf)  }
0x1a8: {  	s11 =	sadd.s32 $0x80000000, s11;
	s30 =	spop (v2sf)  }
0x1a9: {  	s22 =	sadd.s32 s22, s11;
	s28 =	spop (v2sf)  }
0x1aa: {  	[tilespmem:s10+$0x12000] =	vst v16;
	s22 =	sadd.s32 $0x80000000, s22;
	s29 =	spop (v2sf)  }
0x1ab: {  	[tilespmem:s2+$0x11000] =	vst v12;
	s31 =	sadd.s32 s30, s22;
	v10 =	vadd.s32 s11, v15;
	s25 =	spop (v2sf)  }
0x1ac: {  	s10 =	sadd.s32 $0x80000000, s31;
	[tilespmem:s9+$0x11800] =	vst v10;
	s30 =	spop (v2sf)  }
0x1ad: {  	[tilespmem:s9+$0x12000] =	vst v10;
	v10 =	vadd.s32 s22, v13;
	s11 =	sadd.s32 s28, s10;
	s25 =	sxor.u32 $0x80000000, s30  }
0x1ae: {  	[tilespmem:s26+$0x11800] =	vst v10;
	p1 =	sgt.s32 s30, $0xFFFFFFFF;
	s22 =	sand.u32 $0xF, s30;
	p0 =	slt.s32 s25, $0x1  }
0x1af: {  	[tilespmem:s26+$0x12000] =	vst v10;
	v10 =	vadd.s32 s10, v14;
	p6 =	sne.s32 s22, $0x0;
	s28 =	sshra.s32 s25, $0x1F;
	p0 =	por p1, p0  }
0x1b0: {  	v11 =	vsub.s32 v17, v11;
	[tilespmem:s0+$0x11800] =	vst v10;
	s31 =	sadd.s32 $0x80000000, s11;
	s10 =	sshrl.u32 s28, $0x1C;
	p0 =	por !p6, !p0  }
0x1b1: {  	s9 =	simm.s32 $0x1;
	[tilespmem:s0+$0x12000] =	vst v10;
	v10 =	vadd.s32 s31, v11;
	s30 =	sadd.s32 s10, s25;
	p0 =	por !p0, !p0  }
0x1b2: {  	[tilespmem:s1+$0x11800] =	vst v10;
	s0 =	sshra.s32 s30, $0x4;
	s9 =	simm.s32 @!p0 $0x0  }
0x1b3: {  	[tilespmem:s1+$0x12000] =	vst v10;
	s1 =	ssub.s32 s0, s9  }
0x1b4: {  	p1 =	slt.s32 s1, $0x1  }
.Ltmp18:
0x1b5: {  	s29 =	sadd.s32 s29, s31;
	(pc) =	sbr.rel @p1 .LBB2_34-.Ltmp18, $4  }
0x1b6: {  	v11 =	vsub.s32 v20, v12;
	s31 =	sadd.s32 $0x80000000, s29  }
0x1b7: {  	v10 =	vadd.s32 s31, v11  }
0x1b8: {  	[tilespmem:s2+$0x11800] =	vst v10  }
0x1b9: {  	[tilespmem:s2+$0x12000] =	vst v10  }
0x1ba: {  	s2 =	simm.s32 $0x1A880  }
0x1bb: {  	s9 =	simm.s32 $0x16800;
	v10 =	vld [tilespmem:s2+$0x0]  }
0x1bc: {  	v11 =	vld [tilespmem:s9+$0x0];
	_ =	sdelay $0x3  }
0x1bd: {  	v10 =	vxor.u32 $0x80000000, v10  }
0x1be: {  	(xrf1) =	vsort.ascd.msk.u32 $0xffff, v10, v11;
	_ =	sdelay $0xd  }
0x1bf: {  	v10, v11, _ =	vpop (xrf1)  }
0x1c0: {  	v10 =	vxor.u32 $0x80000000, v10  }
0x1c1: {  	[tilespmem:$0x1E980] =	vst v10  }
0x1c2: {  	v12 =	vld.idx.msk [tilespmem:v5+s17+$0x0], $0xffff;
	_ =	sdelay $0x4  }
0x1c3: {  	vm4 =	veq.s32 v10, v12  }
0x1c4: {  	v12 =	vsel vm4, $0x80000000, v7  }
0x1c5: {  	(xrf0) =	vmax.scan.msk.u32 $0xffff, v12;
	_ =	sdelay $0x1  }
0x1c6: {  	v14 =	vld.idx.msk [tilespmem:v6+s17+$0x0], $0xffff  }
0x1c7: {  	v63 =	vld.idx.msk [tilespmem:v10+s18+$0x0], $0xffff;
	_ =	sdelay $0x2  }
0x1c8: {  	v13, _, _ =	vpop (xrf0)  }
0x1c9: {  	v13 =	vxor.u32 $0x80000000, v13  }
0x1ca: {  	vm4 =	vne.s32 v10, v14;
	v12 =	vsub.s32 v63, v13  }
0x1cb: {  	p1 =	sne.s32 s1, $0x1;
	vm4 =	vmor vm4, vm3;
	v13 =	vadd.s32 v1, v12  }
.Ltmp19:
0x1cc: {  	_ = 	snop;
	(pc) =	sbr.rel @!p1 .LBB2_33-.Ltmp19, $2  }
0x1cd: {  	_ =	sdelay $0x2  }
0x1ce: {  	s10 =	sadd.s32 $0xFFFFFFFF, s1;
	[tilespmem:v13+s19+$0x0] =	vst.idx.msk $0xffff, v11;
	v11 =	vadd.s32 v8, v12  }
.LBB2_32:
0x1cf: {  	p1 =	sne.s32 s10, $0x1;
	[tilespmem:v10+s18+$0x0] =	vst.idx.msk vm4, v11;
	s2 =	sadd.s32 $0x10, s2;
	s9 =	sadd.s32 $0x10, s9  }
0x1d0: {  	s10 =	sadd.s32 $0xFFFFFFFF, s10;
	v10 =	vld [tilespmem:s2+$0x0]  }
0x1d1: {  	v11 =	vld [tilespmem:s9+$0x0];
	_ =	sdelay $0x3  }
0x1d2: {  	v10 =	vxor.u32 $0x80000000, v10  }
0x1d3: {  	(xrf1) =	vsort.ascd.msk.u32 $0xffff, v10, v11;
	_ =	sdelay $0xd  }
0x1d4: {  	v10, v11, _ =	vpop (xrf1)  }
0x1d5: {  	v10 =	vxor.u32 $0x80000000, v10  }
0x1d6: {  	[tilespmem:$0x1E980] =	vst v10  }
0x1d7: {  	v12 =	vld.idx.msk [tilespmem:v5+s17+$0x0], $0xffff;
	_ =	sdelay $0x5  }
0x1d8: {  	vm4 =	veq.s32 v10, v12  }
0x1d9: {  	v12 =	vsel vm4, $0x80000000, v7  }
0x1da: {  	(xrf0) =	vmax.scan.msk.u32 $0xffff, v12  }
0x1db: {  	v12 =	vld.idx.msk [tilespmem:v6+s17+$0x0], $0xffff  }
0x1dc: {  	v13 =	vld.idx.msk [tilespmem:v10+s18+$0x0], $0xffff;
	_ =	sdelay $0x3  }
0x1dd: {  	v14, _, _ =	vpop (xrf0)  }
0x1de: {  	vm4 =	vne.s32 v10, v12;
	v12 =	vxor.u32 $0x80000000, v14  }
0x1df: {  	v12 =	vsub.s32 v13, v12  }
0x1e0: {  	vm4 =	vmor vm4, vm3;
	v13 =	vadd.s32 v1, v12  }
.Ltmp20:
0x1e1: {  	(pc) =	sbr.rel @p1 .LBB2_32-.Ltmp20, $2  }
0x1e2: {  	_ =	sdelay $0x2  }
0x1e3: {  	[tilespmem:v13+s19+$0x0] =	vst.idx.msk $0xffff, v11;
	v11 =	vadd.s32 v8, v12  }
.LBB2_33:
0x1e4: {  	_ =	sdelay $0x4  }
0x1e5: {  	[tilespmem:v10+s18+$0x0] =	vst.idx.msk vm4, v11  }
.LBB2_34:
0x1e6: {  	s2 =	simm.s32 $0xFFFFFFFF  }
0x1e7: {  	s2 =	simm.s32 @!p0 $0x0  }
0x1e8: {  	s1 =	sshll.u32 s1, $0x4;
	s0 =	sshll.u32 s0, $0x4;
	s2 =	sshll.u32 s2, $0x4  }
0x1e9: {  	v10 =	vld [tilespmem:s1+$0x1A880];
	s0 =	sadd.s32 s2, s0  }
0x1ea: {  	s26 =	simm.s32 $0x0;
	s2 =	sadd.s32 $0x0, s0  }
0x1eb: {  	vm4 =	vmmov vm0;
	v11 =	vmov s26;
	p0 =	slt.s32 s2, s25  }
0x1ec: {  	vm5 =	veq.s32 v11, v1;
	vm4 =	vmneg @p0 vm4  }
0x1ed: {  	vm4 =	vmand vm5, vm4  }
0x1ee: {  	v12 =	vnsel vm4, $0x0, v10;
	_ =	sdelay $0x4  }
0x1ef: {  	s30 =	simm.s32 $0x1;
	s31 =	sadd.s32 $0x1, s0;
	v12 =	vld.idx.msk [tilespmem:v12+s18+$0x0], $0xffff  }
0x1f0: {  	v13 =	vmov s30;
	v11 =	vld [tilespmem:s1+$0x16800];
	s1 =	simm.s32 $0x2;
	p1 =	slt.s32 s31, s25;
	vm4 =	vmmov vm4  }
.LBB2_35:
0x1f1: {  	vm6 =	vmmov vm0  }
0x1f2: {  	p0 =	sne.s32 s1, $0xF;
	vm5 =	veq.s32 v13, v1;
	vm6 =	vmneg @p1 vm6  }
0x1f3: {  	vm5 =	vmand vm5, vm6  }
0x1f4: {  	v13 =	vnsel vm5, $0x0, v10;
	_ =	sdelay $0x2  }
.Ltmp21:
0x1f5: {  	[tilespmem:v12+s19+$0x0] =	vst.idx.msk vm4, v11;
	v12 =	vadd.s32 $0x1, v12;
	(pc) =	sbr.rel @p0 .LBB2_35-.Ltmp21, $4  }
0x1f6: {  	[tilespmem:v10+s18+$0x0] =	vst.idx.msk vm4, v12;
	vm4 =	vmmov vm5  }
0x1f7: {  	v12 =	vld.idx.msk [tilespmem:v13+s18+$0x0], $0xffff  }
0x1f8: {  	s2 =	sadd.s32 s1, s0  }
0x1f9: {  	p1 =	slt.s32 s2, s25;
	v13 =	vmov s1;
	s1 =	sadd.s32 $0x1, s1  }
0x1fa: {  	vm5 =	vmmov vm0  }
0x1fb: {  	vm6 =	veq.s32 v13, v1;
	vm5 =	vmneg @p1 vm5  }
0x1fc: {  	vm5 =	vmand vm6, vm5  }
0x1fd: {  	v62 =	vnsel vm5, $0x0, v10;
	_ =	sdelay $0x2  }
0x1fe: {  	[tilespmem:v12+s19+$0x0] =	vst.idx.msk vm4, v11;
	v63 =	vadd.s32 $0x1, v12  }
0x1ff: {  	[tilespmem:v10+s18+$0x0] =	vst.idx.msk vm4, v63  }
0x200: {  	v12 =	vld.idx.msk [tilespmem:v62+s18+$0x0], $0xffff;
	_ =	sdelay $0x4  }
.Ltmp22:
0x201: {  	_ = 	snop;
	(pc) =	sbr.rel .LBB2_37-.Ltmp22, $3  }
0x202: {  	_ =	sdelay $0x1  }
0x203: {  	[tilespmem:v12+s19+$0x0] =	vst.idx.msk vm5, v11;
	v11 =	vadd.s32 $0x1, v12  }
0x204: {  	vm4 =	vmmov vm5;
	[tilespmem:v10+s18+$0x0] =	vst.idx.msk vm5, v11;
	v10 =	vimm.s32 $0x0  }
.LBB2_39:
0x205: {  	v17 =	vmov v10  }
.LBB2_43:
0x206: {  	vm12 =	vmmov vm12  }
0x207: {  	v12 =	vnsel vm13, $0x3FFF, v21  }
0x208: {  	v13 =	vnsel vm11, $0x3FFF, v18;
	_ =	sdelay $0x1  }
0x209: {  	vm11 =	vgt.f32 @p0 v22, v11;
	vm8 =	vmmov @p0 vm8  }
0x20a: {  	vm13 =	vgt.f32 @p0 v16, v11;
	v15 =	vld.idx.msk [tilespmem:v15+s19+$0x0], vm4;
	vm8 =	vmand @p0 vm8, vm11;
	vm11 =	vgt.f32 @p0 v20, v11  }
0x20b: {  	v16 =	vsel @p0 vm8, $0x1, v2;
	vm8 =	vmand @p0 vm10, vm11;
	vm10 =	vgt.f32 @p0 v19, v11;
	v12 =	vld.idx.msk [tilespmem:v12+s19+$0x0], vm12  }
0x20c: {  	v16 =	vadd.s32 @p0 v16, v17;
	v17 =	vsel @p0 vm8, $0x1, v2;
	vm8 =	vmand @p0 vm9, vm10;
	v13 =	vld.idx.msk [tilespmem:v13+s19+$0x0], vm6  }
0x20d: {  	v14 =	vld.idx.msk [tilespmem:v14+s19+$0x0], vm5;
	vm4 =	vmmov vm4;
	v16 =	vadd.s32 @p0 v17, v16;
	v17 =	vsel @p0 vm8, $0x1, v2  }
0x20e: {  	vm5 =	vmmov vm5;
	vm7 =	vmand @p0 vm7, vm13;
	v16 =	vadd.s32 @p0 v17, v16  }
0x20f: {  	v17 =	vsel @p0 vm7, $0x1, v2;
	vm6 =	vmmov vm6;
	vm14 =	vgt.f32 v15, v11  }
0x210: {  	v16 =	vadd.s32 @p0 v17, v16;
	vm12 =	vmmov vm12;
	vm15 =	vgt.f32 v12, v11  }
0x211: {  	v10 =	vpsel p0, v16, v10;
	vm13 =	vgt.f32 v13, v11;
	vm7 =	vmand vm12, vm15  }
0x212: {  	vm6 =	vmand vm6, vm13;
	vm15 =	vgt.f32 v14, v11;
	v63 =	vsel vm7, $0x1, v2  }
0x213: {  	v11 =	vsel vm6, $0x1, v2;
	vm5 =	vmand vm5, vm15;
	v10 =	vadd.s32 v63, v10  }
0x214: {  	vm4 =	vmand vm4, vm14;
	v10 =	vadd.s32 v11, v10;
	v11 =	vsel vm5, $0x1, v2  }
0x215: {  	v10 =	vadd.s32 v11, v10;
	v11 =	vsel vm4, $0x1, v2  }
0x216: {  	v10 =	vadd.s32 v11, v10  }
.LBB2_44:
0x217: {  	s26 =	sadd.s32 $0x1, s26  }
0x218: {  	p0 =	sne.s32 s26, s5  }
.Ltmp23:
0x219: {  	_ = 	snop;
	(pc) =	sbr.rel @!p0 .LBB2_45-.Ltmp23, $1  }
0x21a: {  	_ =	sdelay $0x3  }
.LBB2_37:
0x21b: {  	s0 =	smul.u32 $0x3, s26;
	_ =	sdelay $0x1  }
0x21c: {  	s0 =	sadd.s32 s4, s0  }
0x21d: {  	s0 =	sshll.u32 s0, $0x6  }
0x21e: {  	s0 =	sshra.s32 s0, $0x2  }
0x21f: {  	v11 =	vld [tilespmem:s0+$0x0];
	_ =	sdelay $0x4  }
0x220: {  	v12 =	vadd.f32 $8.000000000e+00, v11;
	_ =	sdelay $0x1  }
0x221: {  	v12 =	vmul.f32 $2.560000000e+02, v12;
	_ =	sdelay $0x1  }
0x222: {  	v12 =	vtrunc.f32 v12  }
0x223: {  	v12 =	vcvt.f32.s32 v12;
	_ =	sdelay $0x1  }
0x224: {  	vm4 =	vgt.s32 v12, $0x0  }
0x225: {  	v12 =	vnsel vm4, $0x0, v12  }
0x226: {  	v13 =	vmin.u32 v12, $0x7FF;
	_ =	sdelay $0x4  }
0x227: {  	v12 =	vld.idx.msk [tilespmem:v13+s21+$0x0], $0xffff;
	_ =	sdelay $0x4  }
0x228: {  	v14 =	vxor.u32 $0x80000000, v12  }
0x229: {  	(xrf0) =	vmax.scan.msk.u32 $0xffff, v14;
	_ =	sdelay $0x5  }
0x22a: {  	v14, _, _ =	vpop (xrf0)  }
0x22b: {  	(v2sf) =	vpush v14, $0xF;
	_ =	sdelay $0xe  }
0x22c: {  	s30 =	spop (v2sf)  }
0x22d: {  	s0 =	sadd.s32 $0x80000003, s30  }
0x22e: {  	s1 =	sand.u32 $0x3, s0  }
0x22f: {  	s31 =	sshra.s32 s0, $0x1F;
	p1 =	slt.s32 s0, $0x1;
	p0 =	sne.s32 s1, $0x0  }
0x230: {  	s1 =	sshrl.u32 s31, $0x1E;
	p0 =	por !p1, !p0  }
0x231: {  	s0 =	sadd.s32 s1, s0;
	s1 =	simm.s32 $0x1;
	p0 =	por !p0, !p0  }
0x232: {  	s0 =	sshra.s32 s0, $0x2;
	s1 =	simm.s32 @!p0 $0x0  }
0x233: {  	s0 =	ssub.s32 s0, s1  }
0x234: {  	p0 =	slt.s32 s0, $0x1  }
.Ltmp24:
0x235: {  	_ = 	snop;
	(pc) =	sbr.rel @p0 .LBB2_44-.Ltmp24, $2  }
0x236: {  	_ =	sdelay $0x2  }
0x237: {  	v13 =	vld.idx.msk [tilespmem:v13+s20+$0x0], $0xffff;
	s1 =	simm.s32 $0x3  }
0x238: {  	_ = 	snop  }
0x239: {  	v14 =	vmov s1;
	s2 =	simm.s32 $0x2  }
0x23a: {  	s31 =	simm.s32 $0x0;
	s9 =	simm.s32 $0x1;
	p1 =	sne.s32 s0, $0x1;
	vm4 =	vlt.s32 v14, v12;
	v15 =	vmov s2  }
.Ltmp25:
0x23b: {  	v17 =	vmov s31;
	v19 =	vmov s9;
	vm5 =	vlt.s32 v15, v12;
	(pc) =	sbr.rel @!p1 .LBB2_39-.Ltmp25, $4  }
0x23c: {  	vm12 =	vlt.s32 v17, v12;
	v14 =	vadd.s32 s1, v13;
	v16 =	vadd.s32 s2, v13  }
0x23d: {  	v18 =	vadd.s32 s9, v13;
	v21 =	vadd.s32 s31, v13;
	vm6 =	vlt.s32 v14, $0x3FFF  }
0x23e: {  	vm11 =	vlt.s32 v18, $0x3FFF;
	vm7 =	vlt.s32 v16, $0x3FFF;
	vm13 =	vlt.s32 v21, $0x3FFF  }
0x23f: {  	p0 =	por $0x0, $0x0;
	s1 =	sadd.s32 $0xFFFFFFFF, s0;
	v15 =	vnsel vm6, $0x3FFF, v14;
	vm6 =	vlt.s32 v19, v12;
	v14 =	vnsel vm7, $0x3FFF, v16  }
0x240: {  	_ =	sdelay $0x1  }
0x241: {  	v17 =	vnsel vm13, $0x3FFF, v21  }
0x242: {  	v20 =	vnsel vm11, $0x3FFF, v18;
	vm8 =	vmmov vm12  }
0x243: {  	s0 =	simm.s32 $0x7;
	vm7 =	vmmov vm4;
	vm9 =	vmmov vm5;
	s2 =	simm.s32 $0x6;
	vm10 =	vmmov vm6  }
0x244: {  	v16 =	vld.idx.msk [tilespmem:v15+s19+$0x0], vm4;
	s9 =	simm.s32 $0x4;
	s10 =	simm.s32 $0x5;
	p1 =	sne.s32 s1, $0x1;
	v18 =	vmov s0;
	v15 =	vadd.s32 s0, v13;
	v22 =	vmov s2  }
.Ltmp26:
0x245: {  	v19 =	vld.idx.msk [tilespmem:v14+s19+$0x0], vm5;
	v23 =	vadd.s32 s2, v13;
	v24 =	vmov s9;
	v25 =	vmov s10;
	(pc) =	sbr.rel @!p1 .LBB2_41-.Ltmp26, $4  }
0x246: {  	v21 =	vadd.s32 s9, v13;
	vm4 =	vlt.s32 v18, v12;
	vm5 =	vlt.s32 v22, v12;
	v22 =	vld.idx.msk [tilespmem:v17+s19+$0x0], vm12  }
0x247: {  	vm11 =	vlt.s32 v15, $0x3FFF;
	v18 =	vadd.s32 s10, v13;
	vm14 =	vlt.s32 v23, $0x3FFF;
	v20 =	vld.idx.msk [tilespmem:v20+s19+$0x0], vm6  }
0x248: {  	vm13 =	vlt.s32 v21, $0x3FFF;
	v15 =	vnsel vm11, $0x3FFF, v15;
	vm11 =	vlt.s32 v18, $0x3FFF  }
0x249: {  	s1 =	sadd.s32 $0xFFFFFFFF, s1;
	p0 =	por $0x1, $0x1;
	v14 =	vnsel vm14, $0x3FFF, v23;
	vm6 =	vlt.s32 v25, v12;
	vm12 =	vlt.s32 v24, v12;
	v17 =	vmovc v10  }
.LBB2_42:
0x24a: {  	v21 =	vnsel vm13, $0x3FFF, v21;
	v18 =	vnsel vm11, $0x3FFF, v18  }
0x24b: {  	p1 =	sne.s32 s1, $0x1;
	vm11 =	vgt.f32 v22, v11;
	vm13 =	vmmov vm8;
	vm8 =	vmmov vm12  }
0x24c: {  	vm12 =	vgt.f32 v20, v11;
	vm11 =	vmand vm13, vm11;
	vm13 =	vgt.f32 v16, v11  }
0x24d: {  	vm10 =	vmand vm10, vm12;
	v16 =	vsel vm11, $0x1, v2;
	vm11 =	vgt.f32 v19, v11  }
0x24e: {  	v16 =	vadd.s32 v16, v17;
	v17 =	vsel vm10, $0x1, v2;
	vm9 =	vmand vm9, vm11  }
0x24f: {  	vm7 =	vmand vm7, vm13;
	v16 =	vadd.s32 v17, v16;
	v17 =	vsel vm9, $0x1, v2  }
0x250: {  	s0 =	sadd.s32 $0x4, s0;
	v19 =	vsel vm7, $0x1, v2;
	vm7 =	vmmov vm4;
	v17 =	vadd.s32 v17, v16  }
0x251: {  	v20 =	vmov s0;
	vm9 =	vmmov vm5;
	v16 =	vld.idx.msk [tilespmem:v15+s19+$0x0], vm4;
	v17 =	vadd.s32 v19, v17  }
0x252: {  	s2 =	sadd.s32 $0xFFFFFFFF, s0;
	vm10 =	vmmov vm6;
	vm4 =	vlt.s32 v20, v12;
	v15 =	vadd.s32 s0, v13;
	v22 =	vld.idx.msk [tilespmem:v21+s19+$0x0], vm8  }
.Ltmp27:
0x253: {  	s9 =	sadd.s32 $0xFFFFFFFD, s0;
	s10 =	sadd.s32 $0xFFFFFFFE, s0;
	v23 =	vmov s2;
	v24 =	vadd.s32 s2, v13;
	vm11 =	vlt.s32 v15, $0x3FFF;
	v20 =	vld.idx.msk [tilespmem:v18+s19+$0x0], vm6;
	(pc) =	sbr.rel @p1 .LBB2_42-.Ltmp27, $4  }
0x254: {  	v25 =	vmov s9;
	v26 =	vmov s10;
	v18 =	vadd.s32 s10, v13;
	v19 =	vld.idx.msk [tilespmem:v14+s19+$0x0], vm5  }
0x255: {  	v21 =	vadd.s32 s9, v13;
	v15 =	vnsel vm11, $0x3FFF, v15;
	vm5 =	vlt.s32 v23, v12  }
0x256: {  	vm14 =	vlt.s32 v24, $0x3FFF;
	vm6 =	vlt.s32 v26, v12;
	vm11 =	vlt.s32 v18, $0x3FFF  }
0x257: {  	s1 =	sadd.s32 $0xFFFFFFFF, s1;
	vm12 =	vlt.s32 v25, v12;
	vm13 =	vlt.s32 v21, $0x3FFF;
	v14 =	vnsel vm14, $0x3FFF, v24  }
.Ltmp28:
0x258: {  	_ = 	snop;
	(pc) =	sbr.rel .LBB2_43-.Ltmp28, $1  }
0x259: {  	_ =	sdelay $0x3  }
.LBB2_41:
.Ltmp29:
0x25a: {  	(pc) =	sbr.rel .LBB2_43-.Ltmp29, $2  }
0x25b: {  	_ =	sdelay $0x2  }
0x25c: {  	v17 =	vmov v10  }
.LBB2_9:
.Ltmp30:
0x25d: {  	_ = 	snop;
	(pc) =	sbr.rel .LBB2_22-.Ltmp30, $2  }
0x25e: {  	_ =	sdelay $0x2  }
0x25f: {  	s10 =	simm.s32 $0x0;
	s29 =	simm.s32 $0x0;
	v9 =	vmov v10  }
.LBB2_11:
.Ltmp31:
0x260: {  	_ = 	snop;
	(pc) =	sbr.rel .LBB2_22-.Ltmp31, $2  }
0x261: {  	_ =	sdelay $0x2  }
0x262: {  	v14 =	vmov v10;
	s10 =	simm.s32 $0x0;
	s2 =	simm.s32 $0x0;
	s29 =	simm.s32 $0x10;
	v9 =	vmov v13  }
.LBB2_13:
.Ltmp32:
0x263: {  	_ = 	snop;
	(pc) =	sbr.rel .LBB2_22-.Ltmp32, $3  }
0x264: {  	_ =	sdelay $0x1  }
0x265: {  	s10 =	simm.s32 $0x0  }
0x266: {  	v23 =	vmovc v10;
	v14 =	vmov v13;
	v17 =	vmov v11;
	s1 =	simm.s32 $0x0;
	s2 =	simm.s32 $0x10;
	s29 =	simm.s32 $0x20;
	v9 =	vmov v15  }
.LBB2_15:
.Ltmp33:
0x267: {  	_ = 	snop;
	(pc) =	sbr.rel .LBB2_22-.Ltmp33, $3  }
0x268: {  	_ =	sdelay $0x1  }
0x269: {  	s9 =	simm.s32 $0x0;
	s10 =	simm.s32 $0x0;
	v23 =	vmov v13  }
0x26a: {  	v14 =	vmovc v15;
	v17 =	vmovc v16;
	s1 =	simm.s32 $0x10;
	s2 =	simm.s32 $0x20;
	s29 =	simm.s32 $0x30;
	v20 =	vmov v10;
	v22 =	vmov v11;
	v9 =	vmov v24  }
.LBB2_17:
.Ltmp34:
0x26b: {  	_ = 	snop;
	(pc) =	sbr.rel .LBB2_22-.Ltmp34, $3  }
0x26c: {  	_ =	sdelay $0x1  }
0x26d: {  	s0 =	simm.s32 $0x0;
	s9 =	simm.s32 $0x10;
	s10 =	simm.s32 $0x0;
	v19 =	vmov v10;
	v20 =	vmov v13;
	v23 =	vmov v15  }
0x26e: {  	s1 =	simm.s32 $0x20;
	s2 =	simm.s32 $0x30;
	s29 =	simm.s32 $0x40;
	v21 =	vmovc v11;
	v22 =	vmovc v16;
	v17 =	vmov v18;
	v9 =	vmov v14;
	v14 =	vmov v24  }
0x26f: {  	_ = 	snop  }
.LBB2_19:
.Ltmp35:
0x270: {  	(pc) =	sbr.rel .LBB2_22-.Ltmp35, $3  }
0x271: {  	_ =	sdelay $0x1  }
0x272: {  	s28 =	simm.s32 $0x0;
	s0 =	simm.s32 $0x10;
	s9 =	simm.s32 $0x20  }
0x273: {  	s10 =	simm.s32 $0x0;
	s1 =	simm.s32 $0x30;
	s2 =	simm.s32 $0x40;
	v19 =	vmovc v13;
	v20 =	vmovc v15;
	v23 =	vmov v24;
	v21 =	vmov v16;
	v22 =	vmov v18  }
.Lfunc_end2:
_tile_overlayer_lowered:
.L_overlay_start_2:
0x274: {  	(tag) =	ssettag $0x2  }
0x275: {  	s0 =	rddreg [dreg:$0x0];
	s2 =	stileid.u32  }
0x276: {  	s1 =	rddreg [dreg:$0x1];
	p0 =	sne.s32 s2, $0x0  }
0x277: {  	s3 =	rddreg [dreg:$0x2];
	[bflag:$0x3] =	sbarrier.arrive $0xFFFF;
	s2 =	simm.s32 @!p0 $0x1C03  }
0x278: {  	[timem:s3], [sflag:s2] =	dma.local @!p0 [hbm:s0], s1  }
0x279: {  	s0 =	simm.s32 @!p0 $0x3  }
0x27a: {  	_ =	swait.ge @!p0 [sflag:s0], s1  }
0x27b: {  	s1 =	ssub.s32 @!p0 $0x0, s1;
	[sflag:s0] =	ssyncset.done @!p0 $0x0  }
0x27c: {  	[sflag:s0] =	ssyncadd.s32 @!p0 s1  }
0x27d: {  	[bflag:$0x3] =	sbarrier.arrive $0xFFFF  }
0x27e: {  	_ =	shalt  }

</sc_bundles>
